<compile_context>
chip_gen: v7x
topology: tpu7x:2x2x1
jax: 0.10.2.dev20260603
libtpu: 0.0.44.dev20260713+nightly
codegen_flags: <defaults>
</compile_context>

<pallas_src>
import functools

import jax
import jax.numpy as jnp
from jax import lax
from jax.experimental import pallas as pl
from jax.experimental.pallas import tpu as pltpu
from jax.experimental.pallas import tpu_sc as plsc

B, N, G, C = 8, 4096, 64, 64
LANES = 16
SUBCORES = 32
PTS_PER_W = (B * N) // SUBCORES
VECS_PER_W = PTS_PER_W // LANES
QUARTERS = SUBCORES // B
BKT = C * G
WD = 1.0
WA = 1.0


def _rsqrt_nr(x):
    i = lax.bitcast_convert_type(x, jnp.int32)
    i = jnp.int32(0x5F3759DF) - (i >> 1)
    y = lax.bitcast_convert_type(i, jnp.float32)
    for _ in range(2):
        y = y * (1.5 - 0.5 * x * y * y)
    return y


def _sc_body(pts_hbm, off_hbm, lbl_hbm, ctr_hbm, plab_hbm, pres_hbm,
             pd_hbm, pa_hbm,
             praw, oraw, lblv, ctrraw, plabv, presv, cntv,
             bcx, bcy, bcz, bpres, accd, acca, sem):
    wid = lax.axis_index("s") * 2 + lax.axis_index("c")
    b = wid // QUARTERS
    n0 = (wid % QUARTERS) * PTS_PER_W

    copies = [
        pltpu.async_copy(pts_hbm.at[pl.ds(3 * (b * N + n0), 3 * PTS_PER_W)],
                         praw, sem),
        pltpu.async_copy(off_hbm.at[pl.ds(3 * (b * N + n0), 3 * PTS_PER_W)],
                         oraw, sem),
        pltpu.async_copy(lbl_hbm.at[pl.ds(b * N + n0, PTS_PER_W)], lblv, sem),
        pltpu.async_copy(ctr_hbm.at[pl.ds(b * 3 * G, 3 * G)], ctrraw, sem),
        pltpu.async_copy(plab_hbm.at[pl.ds(b * G, G)], plabv, sem),
        pltpu.async_copy(pres_hbm.at[pl.ds(b * G, G)], presv, sem),
    ]

    zf16 = jnp.zeros((LANES,), jnp.float32)

    def zinit(i, _):
        for t in range(4):
            s = pl.ds((i * 4 + t) * LANES, LANES)
            bcx[s] = zf16
            bcy[s] = zf16
            bcz[s] = zf16
            bpres[s] = zf16
        return 0

    lax.fori_loop(0, BKT // (4 * LANES), zinit, 0)
    zero16 = jnp.zeros((LANES,), jnp.int32)
    for i in range(C // LANES):
        cntv[pl.ds(i * LANES, LANES)] = zero16

    for cp in copies:
        cp.wait()

    lane = lax.iota(jnp.int32, LANES)
    lane0 = lane == 0

    def bucket(g, _):
        gsplat = jnp.full((LANES,), g, jnp.int32)
        lg = plsc.load_gather(plabv, [gsplat])
        kg = plsc.load_gather(cntv, [lg])
        slot = lg * G + kg
        g3 = jnp.full((LANES,), 3 * g, jnp.int32)
        cxg = plsc.load_gather(ctrraw, [g3])
        cyg = plsc.load_gather(ctrraw, [g3 + 1])
        czg = plsc.load_gather(ctrraw, [g3 + 2])
        pg = plsc.load_gather(presv, [gsplat])
        plsc.store_scatter(bcx, [slot], cxg, mask=lane0)
        plsc.store_scatter(bcy, [slot], cyg, mask=lane0)
        plsc.store_scatter(bcz, [slot], czg, mask=lane0)
        plsc.store_scatter(bpres, [slot], pg, mask=lane0)
        plsc.store_scatter(cntv, [lg], kg + 1, mask=lane0)
        return 0

    lax.fori_loop(0, G, bucket, 0)

    ILEAVE = 4
    lane3 = lane * 3

    def point_group(t, carry):
        ad, aa = carry
        vecs = []
        kmax_v = None
        for j in range(ILEAVE):
            s = pl.ds((t * ILEAVE + j) * LANES, LANES)
            pidx = jnp.full((LANES,), (t * ILEAVE + j) * (3 * LANES),
                            jnp.int32) + lane3
            px = plsc.load_gather(praw, [pidx])
            py = plsc.load_gather(praw, [pidx + 1])
            pz = plsc.load_gather(praw, [pidx + 2])
            ox = plsc.load_gather(oraw, [pidx])
            oy = plsc.load_gather(oraw, [pidx + 1])
            oz = plsc.load_gather(oraw, [pidx + 2])
            lbl = lblv[s]
            o2 = ox * ox + oy * oy + oz * oz
            kcount = plsc.load_gather(cntv, [lbl])
            vecs.append((px, py, pz, ox, oy, oz, lbl * G, o2))
            kmax_v = kcount if j == 0 else jnp.maximum(kmax_v, kcount)
        kmax = jnp.max(kmax_v)

        def pair(k, carry2):
            ad2, aa2 = carry2
            kk = jnp.full((LANES,), k, jnp.int32)
            for px, py, pz, ox, oy, oz, lblg, o2 in vecs:
                slot = lblg + kk
                cx = plsc.load_gather(bcx, [slot])
                cy = plsc.load_gather(bcy, [slot])
                cz = plsc.load_gather(bcz, [slot])
                w = plsc.load_gather(bpres, [slot])
                cvx, cvy, cvz = cx - px, cy - py, cz - pz
                dist = (jnp.abs(ox - cvx) + jnp.abs(oy - cvy)
                        + jnp.abs(oz - cvz))
                n2 = cvx * cvx + cvy * cvy + cvz * cvz
                dot = ox * cvx + oy * cvy + oz * cvz
                ang = -dot * _rsqrt_nr(o2 * n2)
                ad2 = ad2 + dist * w
                aa2 = aa2 + ang * w
            return ad2, aa2

        return lax.fori_loop(0, kmax, pair, (ad, aa))

    zf = jnp.zeros((LANES,), jnp.float32)
    ad, aa = lax.fori_loop(0, VECS_PER_W // ILEAVE, point_group, (zf, zf))
    accd[...] = ad
    acca[...] = aa
    pltpu.sync_copy(accd, pd_hbm.at[pl.ds(wid * LANES, LANES)])
    pltpu.sync_copy(acca, pa_hbm.at[pl.ds(wid * LANES, LANES)])


_sc_kernel = functools.partial(
    pl.kernel,
    out_type=[
        jax.ShapeDtypeStruct((SUBCORES * LANES,), jnp.float32),
        jax.ShapeDtypeStruct((SUBCORES * LANES,), jnp.float32),
    ],
    mesh=plsc.VectorSubcoreMesh(core_axis_name="c", subcore_axis_name="s"),
    compiler_params=pltpu.CompilerParams(needs_layout_passes=False),
    scratch_types=[
        pltpu.VMEM((3 * PTS_PER_W,), jnp.float32),
        pltpu.VMEM((3 * PTS_PER_W,), jnp.float32),
        pltpu.VMEM((PTS_PER_W,), jnp.int32),
        pltpu.VMEM((3 * G,), jnp.float32),
        pltpu.VMEM((G,), jnp.int32),
        pltpu.VMEM((G,), jnp.float32),
        pltpu.VMEM((C,), jnp.int32),
        pltpu.VMEM((BKT,), jnp.float32),
        pltpu.VMEM((BKT,), jnp.float32),
        pltpu.VMEM((BKT,), jnp.float32),
        pltpu.VMEM((BKT,), jnp.float32),
        pltpu.VMEM((LANES,), jnp.float32),
        pltpu.VMEM((LANES,), jnp.float32),
        pltpu.SemaphoreType.DMA,
    ],
)(_sc_body)


def _combine_body(pd_ref, pa_ref, of_ref, od_ref, oa_ref):
    scale = jnp.float32(1.0 / (N * B))
    sd = jnp.sum(pd_ref[...]) * (WD * scale)
    sa = jnp.sum(pa_ref[...]) * (WA * scale)
    of_ref[...] = jnp.full((1, 1), sd + sa, jnp.float32)
    od_ref[...] = jnp.full((1, 1), sd, jnp.float32)
    oa_ref[...] = jnp.full((1, 1), sa, jnp.float32)


_combine = pl.pallas_call(
    _combine_body,
    out_shape=[
        jax.ShapeDtypeStruct((1, 1), jnp.float32),
        jax.ShapeDtypeStruct((1, 1), jnp.float32),
        jax.ShapeDtypeStruct((1, 1), jnp.float32),
    ],
)


def kernel(point_normalized, point_xyz, point_offset, point_label,
           gt_plane_center, gt_plane_center_normalized,
           gt_center_sem_cls_label, gt_plane_present):
    pts = point_xyz.reshape(-1)
    off = point_offset.reshape(-1)
    ctr = gt_plane_center_normalized.reshape(-1)
    lbl = point_label.astype(jnp.int32).reshape(-1)
    plab = gt_center_sem_cls_label.astype(jnp.int32).reshape(-1)
    pres = gt_plane_present.astype(jnp.float32).reshape(-1)
    pd, pa = _sc_kernel(pts, off, lbl, ctr, plab, pres)
    f, d, a = _combine(pd, pa)
    return f[0, 0], d[0, 0], a[0, 0]

# --- scband reference (transcript-rebuilt; emitter-appended) ---
"""Pipeline reference for scband-set-criterion-point-64768106824203 (READ-ONLY COPY).

The authoritative reference and input builder live on the scoring server;
editing this copy changes nothing except your own understanding.
"""

import jax, jax.numpy as jnp
import numpy as np

LOSS_W = {'loss_point_offset_dist_weight': 1.0, 'loss_point_offset_angle_weight': 1.0}


def setup_inputs(seed: int = 0) -> dict:
    key = jax.random.key(seed)
    ks = jax.random.split(key, 8)
    B, N, G, C = 8, 4096, 64, 64
    return {
        'point_normalized': jax.random.normal(ks[0], (B, N, 3), dtype=jnp.float32),
        'point_xyz': jax.random.normal(ks[1], (B, N, 3), dtype=jnp.float32),
        'point_offset': jax.random.normal(ks[2], (B, N, 3), dtype=jnp.float32),
        'point_label': jax.random.randint(ks[3], (B, N), 0, C),
        'gt_plane_center': jax.random.normal(ks[4], (B, G, 3), dtype=jnp.float32),
        'gt_plane_center_normalized': jax.random.normal(ks[5], (B, G, 3), dtype=jnp.float32),
        'gt_center_sem_cls_label': jax.random.randint(ks[6], (B, G), 0, C),
        'gt_plane_present': jnp.ones((B, G), dtype=jnp.float32),
    }


def _losses(point_xyz, point_offset, tgt_centers, point_label, centers_label, gt_present, npoints):
    # mask[b, g, n] = 1 if point n in batch b has label == gt plane g's label (and plane present)
    mask = (point_label[:, None, :] == centers_label[:, :, None]).astype(jnp.float32)
    mask = mask * gt_present[:, :, None]  # [B, G, N]
    pts = point_xyz[:, None, :, :3]       # [B, 1, N, 3]
    off = point_offset[:, None, :, :3]    # [B, 1, N, 3]
    ctr = tgt_centers[:, :, None, :3]     # [B, G, 1, 3]
    center_v = ctr - pts                  # [B, G, N, 3]
    # dist loss: sum over masked points of L1(offset - center_vector)
    norm_diff = off - center_v
    dist = jnp.abs(norm_diff).sum(axis=-1)            # [B, G, N]
    dist_per_bs = (dist * mask).sum(axis=(1, 2)) / npoints  # [B]
    dist_loss = dist_per_bs.mean()
    # angle loss: negative cosine between normalized offset and normalized center vector
    offset_norm = jnp.sqrt((point_offset[:, :, :3] ** 2).sum(axis=-1))  # [B, N]
    center_norm = jnp.sqrt((center_v ** 2).sum(axis=-1))                # [B, G, N]
    off_n = point_offset[:, None, :, :3] / (offset_norm[:, None, :, None] + 1e-10)
    ctr_n = center_v / (center_norm[..., None] + 1e-10)
    angle_dist = -(off_n * ctr_n).sum(axis=-1)        # [B, G, N]
    angle_per_bs = (angle_dist * mask).sum(axis=(1, 2)) / npoints  # [B]
    angle_loss = angle_per_bs.mean()
    return dist_loss, angle_loss


def reference(point_normalized, point_xyz, point_offset, point_label, gt_plane_center,
              gt_plane_center_normalized, gt_center_sem_cls_label, gt_plane_present):
    npoints = point_normalized.shape[1]
    dist_loss, angle_loss = _losses(point_xyz, point_offset, gt_plane_center_normalized,
                                    point_label, gt_center_sem_cls_label, gt_plane_present, npoints)
    wd = LOSS_W['loss_point_offset_dist_weight']
    wa = LOSS_W['loss_point_offset_angle_weight']
    final_loss = wd * dist_loss + wa * angle_loss
    return final_loss, wd * dist_loss, wa * angle_loss

if __name__ == "__main__":
    import jax
    _d = setup_inputs()
    print(jax.jit(kernel)(*tuple(_d.values())))

</pallas_src>

<mosaic_0001>
#map = affine_map<(d0, d1) -> (0)>
module attributes {stable_mosaic.version = 14 : i64} {
  func.func @_sc_body(%arg0: i32, %arg1: i32, %arg2: memref<98304xf32, #tpu.memory_space<hbm>>, %arg3: memref<98304xf32, #tpu.memory_space<hbm>>, %arg4: memref<32768xi32, #tpu.memory_space<hbm>>, %arg5: memref<1536xf32, #tpu.memory_space<hbm>>, %arg6: memref<512xi32, #tpu.memory_space<hbm>>, %arg7: memref<512xf32, #tpu.memory_space<hbm>>, %arg8: memref<512xf32, #tpu.memory_space<hbm>>, %arg9: memref<512xf32, #tpu.memory_space<hbm>>, %arg10: memref<3072xf32, #tpu.memory_space<vmem>>, %arg11: memref<3072xf32, #tpu.memory_space<vmem>>, %arg12: memref<1024xi32, #tpu.memory_space<vmem>>, %arg13: memref<192xf32, #tpu.memory_space<vmem>>, %arg14: memref<64xi32, #tpu.memory_space<vmem>>, %arg15: memref<64xf32, #tpu.memory_space<vmem>>, %arg16: memref<64xi32, #tpu.memory_space<vmem>>, %arg17: memref<4096xf32, #tpu.memory_space<vmem>>, %arg18: memref<4096xf32, #tpu.memory_space<vmem>>, %arg19: memref<4096xf32, #tpu.memory_space<vmem>>, %arg20: memref<4096xf32, #tpu.memory_space<vmem>>, %arg21: memref<16xf32, #tpu.memory_space<vmem>>, %arg22: memref<16xf32, #tpu.memory_space<vmem>>, %arg23: memref<!tpu.dma_semaphore, #tpu.memory_space<semaphore_mem>>) attributes {dimension_semantics = [#tpu.dimension_semantics<core_parallel>, #tpu.dimension_semantics<subcore_parallel>], iteration_bounds = array<i64: 2, 16>, scalar_prefetch = 0 : i64, scratch_operands = 14 : i64, tpu.core_type = #tpu.core_type<sc_vector_subcore>, window_params = [{transform_indices = #map}, {transform_indices = #map}, {transform_indices = #map}, {transform_indices = #map}, {transform_indices = #map}, {transform_indices = #map}, {transform_indices = #map}, {transform_indices = #map}]} {
    %mul3A = arith.constant 2 : i32
    %mul3A_0 = arith.muli %arg1, %mul3A : i32
    %add3A = arith.addi %mul3A_0, %arg0 : i32
    %jit3A = arith.constant 4 : i32
    %div3A = arith.divsi %add3A, %jit3A : i32
    %sign3A = arith.constant 0 : i32
    %sign3A_1 = arith.cmpi sgt, %add3A, %sign3A : i32
    %sign3A_2 = arith.extui %sign3A_1 : i1 to i32
    %sign3A_3 = arith.constant 0 : i32
    %sign3A_4 = arith.cmpi slt, %add3A, %sign3A_3 : i32
    %sign3A_5 = arith.extui %sign3A_4 : i1 to i32
    %sign3A_6 = arith.subi %sign3A_2, %sign3A_5 : i32
    %sign3A_7 = arith.constant 0 : i32
    %sign3A_8 = arith.cmpi sgt, %jit3A, %sign3A_7 : i32
    %sign3A_9 = arith.extui %sign3A_8 : i1 to i32
    %sign3A_10 = arith.constant 0 : i32
    %sign3A_11 = arith.cmpi slt, %jit3A, %sign3A_10 : i32
    %sign3A_12 = arith.extui %sign3A_11 : i1 to i32
    %sign3A_13 = arith.subi %sign3A_9, %sign3A_12 : i32
    %ne3A = arith.cmpi ne, %sign3A_6, %sign3A_13 : i32
    %rem3A = arith.remsi %add3A, %jit3A : i32
    %ne3A_14 = arith.constant 0 : i32
    %ne3A_15 = arith.cmpi ne, %rem3A, %ne3A_14 : i32
    %and3A = arith.andi %ne3A, %ne3A_15 : i1
    %sub3A = arith.constant 1 : i32
    %sub3A_16 = arith.subi %div3A, %sub3A : i32
    %select_n3A = arith.select %and3A, %sub3A_16, %div3A : i32
    %jit3A_17 = arith.constant 4 : i32
    %eq3A = arith.constant 0 : i32
    %eq3A_18 = arith.cmpi eq, %jit3A_17, %eq3A : i32
    %jit3A_19 = arith.constant 1 : i32
    %select_n3A_20 = arith.select %eq3A_18, %jit3A_19, %jit3A_17 : i32
    %rem3A_21 = arith.remsi %add3A, %select_n3A_20 : i32
    %ne3A_22 = arith.constant 0 : i32
    %ne3A_23 = arith.cmpi ne, %rem3A_21, %ne3A_22 : i32
    %lt3A = arith.constant 0 : i32
    %lt3A_24 = arith.cmpi slt, %rem3A_21, %lt3A : i32
    %lt3A_25 = arith.constant 0 : i32
    %lt3A_26 = arith.cmpi slt, %select_n3A_20, %lt3A_25 : i32
    %ne3A_27 = arith.xori %lt3A_24, %lt3A_26 : i1
    %and3A_28 = arith.andi %ne3A_27, %ne3A_23 : i1
    %add3A_29 = arith.addi %rem3A_21, %select_n3A_20 : i32
    %select_n3A_30 = arith.select %and3A_28, %add3A_29, %rem3A_21 : i32
    %mul3A_31 = arith.constant 1024 : i32
    %mul3A_32 = arith.muli %select_n3A_30, %mul3A_31 : i32
    %mul3A_33 = arith.constant 4096 : i32
    %mul3A_34 = arith.muli %select_n3A, %mul3A_33 : i32
    %add3A_35 = arith.addi %mul3A_34, %mul3A_32 : i32
    %mul3A_36 = arith.constant 3 : i32
    %mul3A_37 = arith.muli %mul3A_36, %add3A_35 : i32
    %dma_start3A = tpu.memref_slice %arg2[%mul3A_37] : memref<98304xf32, #tpu.memory_space<hbm>> -> memref<3072xf32, #tpu.memory_space<hbm>>
    %dma_start3A_38 = tpu.memref_slice %arg2[%mul3A_37] : memref<98304xf32, #tpu.memory_space<hbm>> -> memref<3072xf32, #tpu.memory_space<hbm>>
    tpu.enqueue_dma source(%dma_start3A_38 : memref<3072xf32, #tpu.memory_space<hbm>>) target(%arg10 : memref<3072xf32, #tpu.memory_space<vmem>>) target_semaphore(%arg23 : memref<!tpu.dma_semaphore, #tpu.memory_space<semaphore_mem>>)
    %mul3A_39 = arith.constant 4096 : i32
    %mul3A_40 = arith.muli %select_n3A, %mul3A_39 : i32
    %add3A_41 = arith.addi %mul3A_40, %mul3A_32 : i32
    %mul3A_42 = arith.constant 3 : i32
    %mul3A_43 = arith.muli %mul3A_42, %add3A_41 : i32
    %dma_start3A_44 = tpu.memref_slice %arg3[%mul3A_43] : memref<98304xf32, #tpu.memory_space<hbm>> -> memref<3072xf32, #tpu.memory_space<hbm>>
    %dma_start3A_45 = tpu.memref_slice %arg3[%mul3A_43] : memref<98304xf32, #tpu.memory_space<hbm>> -> memref<3072xf32, #tpu.memory_space<hbm>>
    tpu.enqueue_dma source(%dma_start3A_45 : memref<3072xf32, #tpu.memory_space<hbm>>) target(%arg11 : memref<3072xf32, #tpu.memory_space<vmem>>) target_semaphore(%arg23 : memref<!tpu.dma_semaphore, #tpu.memory_space<semaphore_mem>>)
    %mul3A_46 = arith.constant 4096 : i32
    %mul3A_47 = arith.muli %select_n3A, %mul3A_46 : i32
    %add3A_48 = arith.addi %mul3A_47, %mul3A_32 : i32
    %dma_start3A_49 = tpu.memref_slice %arg4[%add3A_48] : memref<32768xi32, #tpu.memory_space<hbm>> -> memref<1024xi32, #tpu.memory_space<hbm>>
    %dma_start3A_50 = tpu.memref_slice %arg4[%add3A_48] : memref<32768xi32, #tpu.memory_space<hbm>> -> memref<1024xi32, #tpu.memory_space<hbm>>
    tpu.enqueue_dma source(%dma_start3A_50 : memref<1024xi32, #tpu.memory_space<hbm>>) target(%arg12 : memref<1024xi32, #tpu.memory_space<vmem>>) target_semaphore(%arg23 : memref<!tpu.dma_semaphore, #tpu.memory_space<semaphore_mem>>)
    %mul3A_51 = arith.constant 3 : i32
    %mul3A_52 = arith.muli %select_n3A, %mul3A_51 : i32
    %mul3A_53 = arith.constant 64 : i32
    %mul3A_54 = arith.muli %mul3A_52, %mul3A_53 : i32
    %dma_start3A_55 = tpu.memref_slice %arg5[%mul3A_54] : memref<1536xf32, #tpu.memory_space<hbm>> -> memref<192xf32, #tpu.memory_space<hbm>>
    %dma_start3A_56 = tpu.memref_slice %arg5[%mul3A_54] : memref<1536xf32, #tpu.memory_space<hbm>> -> memref<192xf32, #tpu.memory_space<hbm>>
    tpu.enqueue_dma source(%dma_start3A_56 : memref<192xf32, #tpu.memory_space<hbm>>) target(%arg13 : memref<192xf32, #tpu.memory_space<vmem>>) target_semaphore(%arg23 : memref<!tpu.dma_semaphore, #tpu.memory_space<semaphore_mem>>)
    %mul3A_57 = arith.constant 64 : i32
    %mul3A_58 = arith.muli %select_n3A, %mul3A_57 : i32
    %dma_start3A_59 = tpu.memref_slice %arg6[%mul3A_58] : memref<512xi32, #tpu.memory_space<hbm>> -> memref<64xi32, #tpu.memory_space<hbm>>
    %dma_start3A_60 = tpu.memref_slice %arg6[%mul3A_58] : memref<512xi32, #tpu.memory_space<hbm>> -> memref<64xi32, #tpu.memory_space<hbm>>
    tpu.enqueue_dma source(%dma_start3A_60 : memref<64xi32, #tpu.memory_space<hbm>>) target(%arg14 : memref<64xi32, #tpu.memory_space<vmem>>) target_semaphore(%arg23 : memref<!tpu.dma_semaphore, #tpu.memory_space<semaphore_mem>>)
    %mul3A_61 = arith.constant 64 : i32
    %mul3A_62 = arith.muli %select_n3A, %mul3A_61 : i32
    %dma_start3A_63 = tpu.memref_slice %arg7[%mul3A_62] : memref<512xf32, #tpu.memory_space<hbm>> -> memref<64xf32, #tpu.memory_space<hbm>>
    %dma_start3A_64 = tpu.memref_slice %arg7[%mul3A_62] : memref<512xf32, #tpu.memory_space<hbm>> -> memref<64xf32, #tpu.memory_space<hbm>>
    tpu.enqueue_dma source(%dma_start3A_64 : memref<64xf32, #tpu.memory_space<hbm>>) target(%arg15 : memref<64xf32, #tpu.memory_space<vmem>>) target_semaphore(%arg23 : memref<!tpu.dma_semaphore, #tpu.memory_space<semaphore_mem>>)
    %broadcast_in_dim3A = arith.constant 0.000000e+00 : f32
    %broadcast_in_dim3A_65 = vector.broadcast %broadcast_in_dim3A : f32 to vector<16xf32>
    %scan3A = arith.constant 0 : i32
    %scan3A_66 = arith.constant 0 : i32
    %scan3A_67 = arith.constant 64 : i32
    %scan3A_68 = arith.addi %scan3A_66, %scan3A_67 : i32
    %scan3A_69 = arith.constant 1 : i32
    %scan3A_70 = scf.for %scan3A_121 = %scan3A_66 to %scan3A_68 step %scan3A_69 iter_args(%scan3A_122 = %scan3A) -> (i32)  : i32 {
      %mul3A_123 = arith.constant 4 : i32
      %mul3A_124 = arith.muli %scan3A_121, %mul3A_123 : i32
      %add3A_125 = arith.constant 0 : i32
      %add3A_126 = arith.addi %mul3A_124, %add3A_125 : i32
      %mul3A_127 = arith.constant 16 : i32
      %mul3A_128 = arith.muli %add3A_126, %mul3A_127 : i32
      %swap3A_129 = arith.index_cast %mul3A_128 : i32 to index
      %swap3A_130 = tpu.vector_load %arg17[%swap3A_129] {strides = array<i32>} : memref<4096xf32, #tpu.memory_space<vmem>>, vector<16xf32>,
      tpu.vector_store %arg17[%swap3A_129], %broadcast_in_dim3A_65 {strides = array<i32>} : memref<4096xf32, #tpu.memory_space<vmem>>, vector<16xf32>,
      %swap3A_131 = arith.index_cast %mul3A_128 : i32 to index
      %swap3A_132 = tpu.vector_load %arg18[%swap3A_131] {strides = array<i32>} : memref<4096xf32, #tpu.memory_space<vmem>>, vector<16xf32>,
      tpu.vector_store %arg18[%swap3A_131], %broadcast_in_dim3A_65 {strides = array<i32>} : memref<4096xf32, #tpu.memory_space<vmem>>, vector<16xf32>,
      %swap3A_133 = arith.index_cast %mul3A_128 : i32 to index
      %swap3A_134 = tpu.vector_load %arg19[%swap3A_133] {strides = array<i32>} : memref<4096xf32, #tpu.memory_space<vmem>>, vector<16xf32>,
      tpu.vector_store %arg19[%swap3A_133], %broadcast_in_dim3A_65 {strides = array<i32>} : memref<4096xf32, #tpu.memory_space<vmem>>, vector<16xf32>,
      %swap3A_135 = arith.index_cast %mul3A_128 : i32 to index
      %swap3A_136 = tpu.vector_load %arg20[%swap3A_135] {strides = array<i32>} : memref<4096xf32, #tpu.memory_space<vmem>>, vector<16xf32>,
      tpu.vector_store %arg20[%swap3A_135], %broadcast_in_dim3A_65 {strides = array<i32>} : memref<4096xf32, #tpu.memory_space<vmem>>, vector<16xf32>,
      %mul3A_137 = arith.constant 4 : i32
      %mul3A_138 = arith.muli %scan3A_121, %mul3A_137 : i32
      %add3A_139 = arith.constant 1 : i32
      %add3A_140 = arith.addi %mul3A_138, %add3A_139 : i32
      %mul3A_141 = arith.constant 16 : i32
      %mul3A_142 = arith.muli %add3A_140, %mul3A_141 : i32
      %swap3A_143 = arith.index_cast %mul3A_142 : i32 to index
      %swap3A_144 = tpu.vector_load %arg17[%swap3A_143] {strides = array<i32>} : memref<4096xf32, #tpu.memory_space<vmem>>, vector<16xf32>,
      tpu.vector_store %arg17[%swap3A_143], %broadcast_in_dim3A_65 {strides = array<i32>} : memref<4096xf32, #tpu.memory_space<vmem>>, vector<16xf32>,
      %swap3A_145 = arith.index_cast %mul3A_142 : i32 to index
      %swap3A_146 = tpu.vector_load %arg18[%swap3A_145] {strides = array<i32>} : memref<4096xf32, #tpu.memory_space<vmem>>, vector<16xf32>,
      tpu.vector_store %arg18[%swap3A_145], %broadcast_in_dim3A_65 {strides = array<i32>} : memref<4096xf32, #tpu.memory_space<vmem>>, vector<16xf32>,
      %swap3A_147 = arith.index_cast %mul3A_142 : i32 to index
      %swap3A_148 = tpu.vector_load %arg19[%swap3A_147] {strides = array<i32>} : memref<4096xf32, #tpu.memory_space<vmem>>, vector<16xf32>,
      tpu.vector_store %arg19[%swap3A_147], %broadcast_in_dim3A_65 {strides = array<i32>} : memref<4096xf32, #tpu.memory_space<vmem>>, vector<16xf32>,
      %swap3A_149 = arith.index_cast %mul3A_142 : i32 to index
      %swap3A_150 = tpu.vector_load %arg20[%swap3A_149] {strides = array<i32>} : memref<4096xf32, #tpu.memory_space<vmem>>, vector<16xf32>,
      tpu.vector_store %arg20[%swap3A_149], %broadcast_in_dim3A_65 {strides = array<i32>} : memref<4096xf32, #tpu.memory_space<vmem>>, vector<16xf32>,
      %mul3A_151 = arith.constant 4 : i32
      %mul3A_152 = arith.muli %scan3A_121, %mul3A_151 : i32
      %add3A_153 = arith.constant 2 : i32
      %add3A_154 = arith.addi %mul3A_152, %add3A_153 : i32
      %mul3A_155 = arith.constant 16 : i32
      %mul3A_156 = arith.muli %add3A_154, %mul3A_155 : i32
      %swap3A_157 = arith.index_cast %mul3A_156 : i32 to index
      %swap3A_158 = tpu.vector_load %arg17[%swap3A_157] {strides = array<i32>} : memref<4096xf32, #tpu.memory_space<vmem>>, vector<16xf32>,
      tpu.vector_store %arg17[%swap3A_157], %broadcast_in_dim3A_65 {strides = array<i32>} : memref<4096xf32, #tpu.memory_space<vmem>>, vector<16xf32>,
      %swap3A_159 = arith.index_cast %mul3A_156 : i32 to index
      %swap3A_160 = tpu.vector_load %arg18[%swap3A_159] {strides = array<i32>} : memref<4096xf32, #tpu.memory_space<vmem>>, vector<16xf32>,
      tpu.vector_store %arg18[%swap3A_159], %broadcast_in_dim3A_65 {strides = array<i32>} : memref<4096xf32, #tpu.memory_space<vmem>>, vector<16xf32>,
      %swap3A_161 = arith.index_cast %mul3A_156 : i32 to index
      %swap3A_162 = tpu.vector_load %arg19[%swap3A_161] {strides = array<i32>} : memref<4096xf32, #tpu.memory_space<vmem>>, vector<16xf32>,
      tpu.vector_store %arg19[%swap3A_161], %broadcast_in_dim3A_65 {strides = array<i32>} : memref<4096xf32, #tpu.memory_space<vmem>>, vector<16xf32>,
      %swap3A_163 = arith.index_cast %mul3A_156 : i32 to index
      %swap3A_164 = tpu.vector_load %arg20[%swap3A_163] {strides = array<i32>} : memref<4096xf32, #tpu.memory_space<vmem>>, vector<16xf32>,
      tpu.vector_store %arg20[%swap3A_163], %broadcast_in_dim3A_65 {strides = array<i32>} : memref<4096xf32, #tpu.memory_space<vmem>>, vector<16xf32>,
      %mul3A_165 = arith.constant 4 : i32
      %mul3A_166 = arith.muli %scan3A_121, %mul3A_165 : i32
      %add3A_167 = arith.constant 3 : i32
      %add3A_168 = arith.addi %mul3A_166, %add3A_167 : i32
      %mul3A_169 = arith.constant 16 : i32
      %mul3A_170 = arith.muli %add3A_168, %mul3A_169 : i32
      %swap3A_171 = arith.index_cast %mul3A_170 : i32 to index
      %swap3A_172 = tpu.vector_load %arg17[%swap3A_171] {strides = array<i32>} : memref<4096xf32, #tpu.memory_space<vmem>>, vector<16xf32>,
      tpu.vector_store %arg17[%swap3A_171], %broadcast_in_dim3A_65 {strides = array<i32>} : memref<4096xf32, #tpu.memory_space<vmem>>, vector<16xf32>,
      %swap3A_173 = arith.index_cast %mul3A_170 : i32 to index
      %swap3A_174 = tpu.vector_load %arg18[%swap3A_173] {strides = array<i32>} : memref<4096xf32, #tpu.memory_space<vmem>>, vector<16xf32>,
      tpu.vector_store %arg18[%swap3A_173], %broadcast_in_dim3A_65 {strides = array<i32>} : memref<4096xf32, #tpu.memory_space<vmem>>, vector<16xf32>,
      %swap3A_175 = arith.index_cast %mul3A_170 : i32 to index
      %swap3A_176 = tpu.vector_load %arg19[%swap3A_175] {strides = array<i32>} : memref<4096xf32, #tpu.memory_space<vmem>>, vector<16xf32>,
      tpu.vector_store %arg19[%swap3A_175], %broadcast_in_dim3A_65 {strides = array<i32>} : memref<4096xf32, #tpu.memory_space<vmem>>, vector<16xf32>,
      %swap3A_177 = arith.index_cast %mul3A_170 : i32 to index
      %swap3A_178 = tpu.vector_load %arg20[%swap3A_177] {strides = array<i32>} : memref<4096xf32, #tpu.memory_space<vmem>>, vector<16xf32>,
      tpu.vector_store %arg20[%swap3A_177], %broadcast_in_dim3A_65 {strides = array<i32>} : memref<4096xf32, #tpu.memory_space<vmem>>, vector<16xf32>,
      %scan3A_179 = arith.constant 0 : i32
      scf.yield %scan3A_179 : i32
    }
    %scan3A_71 = arith.constant 64 : i32
    %broadcast_in_dim3A_72 = arith.constant 0 : i32
    %broadcast_in_dim3A_73 = vector.broadcast %broadcast_in_dim3A_72 : i32 to vector<16xi32>
    %swap3A = arith.constant 0 : index
    %swap3A_74 = tpu.vector_load %arg16[%swap3A] {strides = array<i32>} : memref<64xi32, #tpu.memory_space<vmem>>, vector<16xi32>,
    tpu.vector_store %arg16[%swap3A], %broadcast_in_dim3A_73 {strides = array<i32>} : memref<64xi32, #tpu.memory_space<vmem>>, vector<16xi32>,
    %swap3A_75 = arith.constant 16 : index
    %swap3A_76 = tpu.vector_load %arg16[%swap3A_75] {strides = array<i32>} : memref<64xi32, #tpu.memory_space<vmem>>, vector<16xi32>,
    tpu.vector_store %arg16[%swap3A_75], %broadcast_in_dim3A_73 {strides = array<i32>} : memref<64xi32, #tpu.memory_space<vmem>>, vector<16xi32>,
    %swap3A_77 = arith.constant 32 : index
    %swap3A_78 = tpu.vector_load %arg16[%swap3A_77] {strides = array<i32>} : memref<64xi32, #tpu.memory_space<vmem>>, vector<16xi32>,
    tpu.vector_store %arg16[%swap3A_77], %broadcast_in_dim3A_73 {strides = array<i32>} : memref<64xi32, #tpu.memory_space<vmem>>, vector<16xi32>,
    %swap3A_79 = arith.constant 48 : index
    %swap3A_80 = tpu.vector_load %arg16[%swap3A_79] {strides = array<i32>} : memref<64xi32, #tpu.memory_space<vmem>>, vector<16xi32>,
    tpu.vector_store %arg16[%swap3A_79], %broadcast_in_dim3A_73 {strides = array<i32>} : memref<64xi32, #tpu.memory_space<vmem>>, vector<16xi32>,
    %dma_wait3A = tpu.memref_slice %arg2[%mul3A_37] : memref<98304xf32, #tpu.memory_space<hbm>> -> memref<3072xf32, #tpu.memory_space<hbm>>
    %dma_wait3A_81 = tpu.memref_slice %arg2[%mul3A_37] : memref<98304xf32, #tpu.memory_space<hbm>> -> memref<3072xf32, #tpu.memory_space<hbm>>
    tpu.wait_dma2 semaphore(%arg23 : memref<!tpu.dma_semaphore, #tpu.memory_space<semaphore_mem>>) src(%dma_wait3A_81 : memref<3072xf32, #tpu.memory_space<hbm>>) dst(%arg10 : memref<3072xf32, #tpu.memory_space<vmem>>)
    %dma_wait3A_82 = tpu.memref_slice %arg3[%mul3A_43] : memref<98304xf32, #tpu.memory_space<hbm>> -> memref<3072xf32, #tpu.memory_space<hbm>>
    %dma_wait3A_83 = tpu.memref_slice %arg3[%mul3A_43] : memref<98304xf32, #tpu.memory_space<hbm>> -> memref<3072xf32, #tpu.memory_space<hbm>>
    tpu.wait_dma2 semaphore(%arg23 : memref<!tpu.dma_semaphore, #tpu.memory_space<semaphore_mem>>) src(%dma_wait3A_83 : memref<3072xf32, #tpu.memory_space<hbm>>) dst(%arg11 : memref<3072xf32, #tpu.memory_space<vmem>>)
    %dma_wait3A_84 = tpu.memref_slice %arg4[%add3A_48] : memref<32768xi32, #tpu.memory_space<hbm>> -> memref<1024xi32, #tpu.memory_space<hbm>>
    %dma_wait3A_85 = tpu.memref_slice %arg4[%add3A_48] : memref<32768xi32, #tpu.memory_space<hbm>> -> memref<1024xi32, #tpu.memory_space<hbm>>
    tpu.wait_dma2 semaphore(%arg23 : memref<!tpu.dma_semaphore, #tpu.memory_space<semaphore_mem>>) src(%dma_wait3A_85 : memref<1024xi32, #tpu.memory_space<hbm>>) dst(%arg12 : memref<1024xi32, #tpu.memory_space<vmem>>)
    %dma_wait3A_86 = tpu.memref_slice %arg5[%mul3A_54] : memref<1536xf32, #tpu.memory_space<hbm>> -> memref<192xf32, #tpu.memory_space<hbm>>
    %dma_wait3A_87 = tpu.memref_slice %arg5[%mul3A_54] : memref<1536xf32, #tpu.memory_space<hbm>> -> memref<192xf32, #tpu.memory_space<hbm>>
    tpu.wait_dma2 semaphore(%arg23 : memref<!tpu.dma_semaphore, #tpu.memory_space<semaphore_mem>>) src(%dma_wait3A_87 : memref<192xf32, #tpu.memory_space<hbm>>) dst(%arg13 : memref<192xf32, #tpu.memory_space<vmem>>)
    %dma_wait3A_88 = tpu.memref_slice %arg6[%mul3A_58] : memref<512xi32, #tpu.memory_space<hbm>> -> memref<64xi32, #tpu.memory_space<hbm>>
    %dma_wait3A_89 = tpu.memref_slice %arg6[%mul3A_58] : memref<512xi32, #tpu.memory_space<hbm>> -> memref<64xi32, #tpu.memory_space<hbm>>
    tpu.wait_dma2 semaphore(%arg23 : memref<!tpu.dma_semaphore, #tpu.memory_space<semaphore_mem>>) src(%dma_wait3A_89 : memref<64xi32, #tpu.memory_space<hbm>>) dst(%arg14 : memref<64xi32, #tpu.memory_space<vmem>>)
    %dma_wait3A_90 = tpu.memref_slice %arg7[%mul3A_62] : memref<512xf32, #tpu.memory_space<hbm>> -> memref<64xf32, #tpu.memory_space<hbm>>
    %dma_wait3A_91 = tpu.memref_slice %arg7[%mul3A_62] : memref<512xf32, #tpu.memory_space<hbm>> -> memref<64xf32, #tpu.memory_space<hbm>>
    tpu.wait_dma2 semaphore(%arg23 : memref<!tpu.dma_semaphore, #tpu.memory_space<semaphore_mem>>) src(%dma_wait3A_91 : memref<64xf32, #tpu.memory_space<hbm>>) dst(%arg15 : memref<64xf32, #tpu.memory_space<vmem>>)
    %iota3A = tpu.iota {dimensions = array<i32: 0>} : vector<16xi32>
    %eq3A_92 = arith.constant 0 : i32
    %eq3A_93 = vector.broadcast %eq3A_92 : i32 to vector<16xi32>
    %eq3A_94 = arith.cmpi eq, %iota3A, %eq3A_93 : vector<16xi32>
    %scan3A_95 = arith.constant 0 : i32
    %scan3A_96 = arith.constant 0 : i32
    %scan3A_97 = arith.constant 64 : i32
    %scan3A_98 = arith.addi %scan3A_96, %scan3A_97 : i32
    %scan3A_99 = arith.constant 1 : i32
    %scan3A_100 = scf.for %scan3A_121 = %scan3A_96 to %scan3A_98 step %scan3A_99 iter_args(%scan3A_122 = %scan3A_95) -> (i32)  : i32 {
      %broadcast_in_dim3A_123 = vector.broadcast %scan3A_121 : i32 to vector<16xi32>
      %gather3A = tpu.vector_load_idx %arg14[%broadcast_in_dim3A_123] : memref<64xi32, #tpu.memory_space<vmem>>[vector<16xi32>], vector<16xi32>,
      %gather3A_124 = tpu.vector_load_idx %arg16[%gather3A] : memref<64xi32, #tpu.memory_space<vmem>>[vector<16xi32>], vector<16xi32>,
      %mul3A_125 = arith.constant 64 : i32
      %mul3A_126 = vector.broadcast %mul3A_125 : i32 to vector<16xi32>
      %mul3A_127 = arith.muli %gather3A, %mul3A_126 : vector<16xi32>
      %add3A_128 = arith.addi %mul3A_127, %gather3A_124 : vector<16xi32>
      %mul3A_129 = arith.constant 3 : i32
      %mul3A_130 = arith.muli %mul3A_129, %scan3A_121 : i32
      %broadcast_in_dim3A_131 = vector.broadcast %mul3A_130 : i32 to vector<16xi32>
      %gather3A_132 = tpu.vector_load_idx %arg13[%broadcast_in_dim3A_131] : memref<192xf32, #tpu.memory_space<vmem>>[vector<16xi32>], vector<16xf32>,
      %add3A_133 = arith.constant 1 : i32
      %add3A_134 = vector.broadcast %add3A_133 : i32 to vector<16xi32>
      %add3A_135 = arith.addi %broadcast_in_dim3A_131, %add3A_134 : vector<16xi32>
      %gather3A_136 = tpu.vector_load_idx %arg13[%add3A_135] : memref<192xf32, #tpu.memory_space<vmem>>[vector<16xi32>], vector<16xf32>,
      %add3A_137 = arith.constant 2 : i32
      %add3A_138 = vector.broadcast %add3A_137 : i32 to vector<16xi32>
      %add3A_139 = arith.addi %broadcast_in_dim3A_131, %add3A_138 : vector<16xi32>
      %gather3A_140 = tpu.vector_load_idx %arg13[%add3A_139] : memref<192xf32, #tpu.memory_space<vmem>>[vector<16xi32>], vector<16xf32>,
      %gather3A_141 = tpu.vector_load_idx %arg15[%broadcast_in_dim3A_123] : memref<64xf32, #tpu.memory_space<vmem>>[vector<16xi32>], vector<16xf32>,
      tpu.vector_store_idx %arg17[%add3A_128], %gather3A_132 masked %eq3A_94 : memref<4096xf32, #tpu.memory_space<vmem>>[vector<16xi32>], vector<16xf32>, vector<16xi1>
      tpu.vector_store_idx %arg18[%add3A_128], %gather3A_136 masked %eq3A_94 : memref<4096xf32, #tpu.memory_space<vmem>>[vector<16xi32>], vector<16xf32>, vector<16xi1>
      tpu.vector_store_idx %arg19[%add3A_128], %gather3A_140 masked %eq3A_94 : memref<4096xf32, #tpu.memory_space<vmem>>[vector<16xi32>], vector<16xf32>, vector<16xi1>
      tpu.vector_store_idx %arg20[%add3A_128], %gather3A_141 masked %eq3A_94 : memref<4096xf32, #tpu.memory_space<vmem>>[vector<16xi32>], vector<16xf32>, vector<16xi1>
      %add3A_142 = arith.constant 1 : i32
      %add3A_143 = vector.broadcast %add3A_142 : i32 to vector<16xi32>
      %add3A_144 = arith.addi %gather3A_124, %add3A_143 : vector<16xi32>
      tpu.vector_store_idx %arg16[%gather3A], %add3A_144 masked %eq3A_94 : memref<64xi32, #tpu.memory_space<vmem>>[vector<16xi32>], vector<16xi32>, vector<16xi1>
      %scan3A_145 = arith.constant 0 : i32
      scf.yield %scan3A_145 : i32
    }
    %scan3A_101 = arith.constant 64 : i32
    %mul3A_102 = arith.constant 3 : i32
    %mul3A_103 = vector.broadcast %mul3A_102 : i32 to vector<16xi32>
    %mul3A_104 = arith.muli %iota3A, %mul3A_103 : vector<16xi32>
    %broadcast_in_dim3A_105 = arith.constant 0.000000e+00 : f32
    %broadcast_in_dim3A_106 = vector.broadcast %broadcast_in_dim3A_105 : f32 to vector<16xf32>
    %scan3A_107 = arith.constant 0 : i32
    %scan3A_108 = arith.constant 16 : i32
    %scan3A_109 = arith.addi %scan3A_107, %scan3A_108 : i32
    %scan3A_110 = arith.constant 1 : i32
    %scan3A_111:2 = scf.for %scan3A_121 = %scan3A_107 to %scan3A_109 step %scan3A_110 iter_args(%scan3A_122 = %broadcast_in_dim3A_106, %scan3A_123 = %broadcast_in_dim3A_106) -> (vector<16xf32>, vector<16xf32>)  : i32 {
      %mul3A_124 = arith.constant 4 : i32
      %mul3A_125 = arith.muli %scan3A_121, %mul3A_124 : i32
      %add3A_126 = arith.constant 0 : i32
      %add3A_127 = arith.addi %mul3A_125, %add3A_126 : i32
      %mul3A_128 = arith.constant 16 : i32
      %mul3A_129 = arith.muli %add3A_127, %mul3A_128 : i32
      %mul3A_130 = arith.constant 4 : i32
      %mul3A_131 = arith.muli %scan3A_121, %mul3A_130 : i32
      %add3A_132 = arith.constant 0 : i32
      %add3A_133 = arith.addi %mul3A_131, %add3A_132 : i32
      %mul3A_134 = arith.constant 48 : i32
      %mul3A_135 = arith.muli %add3A_133, %mul3A_134 : i32
      %broadcast_in_dim3A_136 = vector.broadcast %mul3A_135 : i32 to vector<16xi32>
      %add3A_137 = arith.addi %broadcast_in_dim3A_136, %mul3A_104 : vector<16xi32>
      %gather3A = tpu.vector_load_idx %arg10[%add3A_137] : memref<3072xf32, #tpu.memory_space<vmem>>[vector<16xi32>], vector<16xf32>,
      %add3A_138 = arith.constant 1 : i32
      %add3A_139 = vector.broadcast %add3A_138 : i32 to vector<16xi32>
      %add3A_140 = arith.addi %add3A_137, %add3A_139 : vector<16xi32>
      %gather3A_141 = tpu.vector_load_idx %arg10[%add3A_140] : memref<3072xf32, #tpu.memory_space<vmem>>[vector<16xi32>], vector<16xf32>,
      %add3A_142 = arith.constant 2 : i32
      %add3A_143 = vector.broadcast %add3A_142 : i32 to vector<16xi32>
      %add3A_144 = arith.addi %add3A_137, %add3A_143 : vector<16xi32>
      %gather3A_145 = tpu.vector_load_idx %arg10[%add3A_144] : memref<3072xf32, #tpu.memory_space<vmem>>[vector<16xi32>], vector<16xf32>,
      %gather3A_146 = tpu.vector_load_idx %arg11[%add3A_137] : memref<3072xf32, #tpu.memory_space<vmem>>[vector<16xi32>], vector<16xf32>,
      %add3A_147 = arith.constant 1 : i32
      %add3A_148 = vector.broadcast %add3A_147 : i32 to vector<16xi32>
      %add3A_149 = arith.addi %add3A_137, %add3A_148 : vector<16xi32>
      %gather3A_150 = tpu.vector_load_idx %arg11[%add3A_149] : memref<3072xf32, #tpu.memory_space<vmem>>[vector<16xi32>], vector<16xf32>,
      %add3A_151 = arith.constant 2 : i32
      %add3A_152 = vector.broadcast %add3A_151 : i32 to vector<16xi32>
      %add3A_153 = arith.addi %add3A_137, %add3A_152 : vector<16xi32>
      %gather3A_154 = tpu.vector_load_idx %arg11[%add3A_153] : memref<3072xf32, #tpu.memory_space<vmem>>[vector<16xi32>], vector<16xf32>,
      %get3A = arith.index_cast %mul3A_129 : i32 to index
      %get3A_155 = tpu.vector_load %arg12[%get3A] {strides = array<i32>} : memref<1024xi32, #tpu.memory_space<vmem>>, vector<16xi32>,
      %mul3A_156 = arith.mulf %gather3A_146, %gather3A_146 : vector<16xf32>
      %mul3A_157 = arith.mulf %gather3A_150, %gather3A_150 : vector<16xf32>
      %add3A_158 = arith.addf %mul3A_156, %mul3A_157 : vector<16xf32>
      %mul3A_159 = arith.mulf %gather3A_154, %gather3A_154 : vector<16xf32>
      %add3A_160 = arith.addf %add3A_158, %mul3A_159 : vector<16xf32>
      %gather3A_161 = tpu.vector_load_idx %arg16[%get3A_155] : memref<64xi32, #tpu.memory_space<vmem>>[vector<16xi32>], vector<16xi32>,
      %mul3A_162 = arith.constant 64 : i32
      %mul3A_163 = vector.broadcast %mul3A_162 : i32 to vector<16xi32>
      %mul3A_164 = arith.muli %get3A_155, %mul3A_163 : vector<16xi32>
      %mul3A_165 = arith.constant 4 : i32
      %mul3A_166 = arith.muli %scan3A_121, %mul3A_165 : i32
      %add3A_167 = arith.constant 1 : i32
      %add3A_168 = arith.addi %mul3A_166, %add3A_167 : i32
      %mul3A_169 = arith.constant 16 : i32
      %mul3A_170 = arith.muli %add3A_168, %mul3A_169 : i32
      %mul3A_171 = arith.constant 4 : i32
      %mul3A_172 = arith.muli %scan3A_121, %mul3A_171 : i32
      %add3A_173 = arith.constant 1 : i32
      %add3A_174 = arith.addi %mul3A_172, %add3A_173 : i32
      %mul3A_175 = arith.constant 48 : i32
      %mul3A_176 = arith.muli %add3A_174, %mul3A_175 : i32
      %broadcast_in_dim3A_177 = vector.broadcast %mul3A_176 : i32 to vector<16xi32>
      %add3A_178 = arith.addi %broadcast_in_dim3A_177, %mul3A_104 : vector<16xi32>
      %gather3A_179 = tpu.vector_load_idx %arg10[%add3A_178] : memref<3072xf32, #tpu.memory_space<vmem>>[vector<16xi32>], vector<16xf32>,
      %add3A_180 = arith.constant 1 : i32
      %add3A_181 = vector.broadcast %add3A_180 : i32 to vector<16xi32>
      %add3A_182 = arith.addi %add3A_178, %add3A_181 : vector<16xi32>
      %gather3A_183 = tpu.vector_load_idx %arg10[%add3A_182] : memref<3072xf32, #tpu.memory_space<vmem>>[vector<16xi32>], vector<16xf32>,
      %add3A_184 = arith.constant 2 : i32
      %add3A_185 = vector.broadcast %add3A_184 : i32 to vector<16xi32>
      %add3A_186 = arith.addi %add3A_178, %add3A_185 : vector<16xi32>
      %gather3A_187 = tpu.vector_load_idx %arg10[%add3A_186] : memref<3072xf32, #tpu.memory_space<vmem>>[vector<16xi32>], vector<16xf32>,
      %gather3A_188 = tpu.vector_load_idx %arg11[%add3A_178] : memref<3072xf32, #tpu.memory_space<vmem>>[vector<16xi32>], vector<16xf32>,
      %add3A_189 = arith.constant 1 : i32
      %add3A_190 = vector.broadcast %add3A_189 : i32 to vector<16xi32>
      %add3A_191 = arith.addi %add3A_178, %add3A_190 : vector<16xi32>
      %gather3A_192 = tpu.vector_load_idx %arg11[%add3A_191] : memref<3072xf32, #tpu.memory_space<vmem>>[vector<16xi32>], vector<16xf32>,
      %add3A_193 = arith.constant 2 : i32
      %add3A_194 = vector.broadcast %add3A_193 : i32 to vector<16xi32>
      %add3A_195 = arith.addi %add3A_178, %add3A_194 : vector<16xi32>
      %gather3A_196 = tpu.vector_load_idx %arg11[%add3A_195] : memref<3072xf32, #tpu.memory_space<vmem>>[vector<16xi32>], vector<16xf32>,
      %get3A_197 = arith.index_cast %mul3A_170 : i32 to index
      %get3A_198 = tpu.vector_load %arg12[%get3A_197] {strides = array<i32>} : memref<1024xi32, #tpu.memory_space<vmem>>, vector<16xi32>,
      %mul3A_199 = arith.mulf %gather3A_188, %gather3A_188 : vector<16xf32>
      %mul3A_200 = arith.mulf %gather3A_192, %gather3A_192 : vector<16xf32>
      %add3A_201 = arith.addf %mul3A_199, %mul3A_200 : vector<16xf32>
      %mul3A_202 = arith.mulf %gather3A_196, %gather3A_196 : vector<16xf32>
      %add3A_203 = arith.addf %add3A_201, %mul3A_202 : vector<16xf32>
      %gather3A_204 = tpu.vector_load_idx %arg16[%get3A_198] : memref<64xi32, #tpu.memory_space<vmem>>[vector<16xi32>], vector<16xi32>,
      %mul3A_205 = arith.constant 64 : i32
      %mul3A_206 = vector.broadcast %mul3A_205 : i32 to vector<16xi32>
      %mul3A_207 = arith.muli %get3A_198, %mul3A_206 : vector<16xi32>
      %max3A = arith.maxsi %gather3A_161, %gather3A_204 : vector<16xi32>
      %mul3A_208 = arith.constant 4 : i32
      %mul3A_209 = arith.muli %scan3A_121, %mul3A_208 : i32
      %add3A_210 = arith.constant 2 : i32
      %add3A_211 = arith.addi %mul3A_209, %add3A_210 : i32
      %mul3A_212 = arith.constant 16 : i32
      %mul3A_213 = arith.muli %add3A_211, %mul3A_212 : i32
      %mul3A_214 = arith.constant 4 : i32
      %mul3A_215 = arith.muli %scan3A_121, %mul3A_214 : i32
      %add3A_216 = arith.constant 2 : i32
      %add3A_217 = arith.addi %mul3A_215, %add3A_216 : i32
      %mul3A_218 = arith.constant 48 : i32
      %mul3A_219 = arith.muli %add3A_217, %mul3A_218 : i32
      %broadcast_in_dim3A_220 = vector.broadcast %mul3A_219 : i32 to vector<16xi32>
      %add3A_221 = arith.addi %broadcast_in_dim3A_220, %mul3A_104 : vector<16xi32>
      %gather3A_222 = tpu.vector_load_idx %arg10[%add3A_221] : memref<3072xf32, #tpu.memory_space<vmem>>[vector<16xi32>], vector<16xf32>,
      %add3A_223 = arith.constant 1 : i32
      %add3A_224 = vector.broadcast %add3A_223 : i32 to vector<16xi32>
      %add3A_225 = arith.addi %add3A_221, %add3A_224 : vector<16xi32>
      %gather3A_226 = tpu.vector_load_idx %arg10[%add3A_225] : memref<3072xf32, #tpu.memory_space<vmem>>[vector<16xi32>], vector<16xf32>,
      %add3A_227 = arith.constant 2 : i32
      %add3A_228 = vector.broadcast %add3A_227 : i32 to vector<16xi32>
      %add3A_229 = arith.addi %add3A_221, %add3A_228 : vector<16xi32>
      %gather3A_230 = tpu.vector_load_idx %arg10[%add3A_229] : memref<3072xf32, #tpu.memory_space<vmem>>[vector<16xi32>], vector<16xf32>,
      %gather3A_231 = tpu.vector_load_idx %arg11[%add3A_221] : memref<3072xf32, #tpu.memory_space<vmem>>[vector<16xi32>], vector<16xf32>,
      %add3A_232 = arith.constant 1 : i32
      %add3A_233 = vector.broadcast %add3A_232 : i32 to vector<16xi32>
      %add3A_234 = arith.addi %add3A_221, %add3A_233 : vector<16xi32>
      %gather3A_235 = tpu.vector_load_idx %arg11[%add3A_234] : memref<3072xf32, #tpu.memory_space<vmem>>[vector<16xi32>], vector<16xf32>,
      %add3A_236 = arith.constant 2 : i32
      %add3A_237 = vector.broadcast %add3A_236 : i32 to vector<16xi32>
      %add3A_238 = arith.addi %add3A_221, %add3A_237 : vector<16xi32>
      %gather3A_239 = tpu.vector_load_idx %arg11[%add3A_238] : memref<3072xf32, #tpu.memory_space<vmem>>[vector<16xi32>], vector<16xf32>,
      %get3A_240 = arith.index_cast %mul3A_213 : i32 to index
      %get3A_241 = tpu.vector_load %arg12[%get3A_240] {strides = array<i32>} : memref<1024xi32, #tpu.memory_space<vmem>>, vector<16xi32>,
      %mul3A_242 = arith.mulf %gather3A_231, %gather3A_231 : vector<16xf32>
      %mul3A_243 = arith.mulf %gather3A_235, %gather3A_235 : vector<16xf32>
      %add3A_244 = arith.addf %mul3A_242, %mul3A_243 : vector<16xf32>
      %mul3A_245 = arith.mulf %gather3A_239, %gather3A_239 : vector<16xf32>
      %add3A_246 = arith.addf %add3A_244, %mul3A_245 : vector<16xf32>
      %gather3A_247 = tpu.vector_load_idx %arg16[%get3A_241] : memref<64xi32, #tpu.memory_space<vmem>>[vector<16xi32>], vector<16xi32>,
      %mul3A_248 = arith.constant 64 : i32
      %mul3A_249 = vector.broadcast %mul3A_248 : i32 to vector<16xi32>
      %mul3A_250 = arith.muli %get3A_241, %mul3A_249 : vector<16xi32>
      %max3A_251 = arith.maxsi %max3A, %gather3A_247 : vector<16xi32>
      %mul3A_252 = arith.constant 4 : i32
      %mul3A_253 = arith.muli %scan3A_121, %mul3A_252 : i32
      %add3A_254 = arith.constant 3 : i32
      %add3A_255 = arith.addi %mul3A_253, %add3A_254 : i32
      %mul3A_256 = arith.constant 16 : i32
      %mul3A_257 = arith.muli %add3A_255, %mul3A_256 : i32
      %mul3A_258 = arith.constant 4 : i32
      %mul3A_259 = arith.muli %scan3A_121, %mul3A_258 : i32
      %add3A_260 = arith.constant 3 : i32
      %add3A_261 = arith.addi %mul3A_259, %add3A_260 : i32
      %mul3A_262 = arith.constant 48 : i32
      %mul3A_263 = arith.muli %add3A_261, %mul3A_262 : i32
      %broadcast_in_dim3A_264 = vector.broadcast %mul3A_263 : i32 to vector<16xi32>
      %add3A_265 = arith.addi %broadcast_in_dim3A_264, %mul3A_104 : vector<16xi32>
      %gather3A_266 = tpu.vector_load_idx %arg10[%add3A_265] : memref<3072xf32, #tpu.memory_space<vmem>>[vector<16xi32>], vector<16xf32>,
      %add3A_267 = arith.constant 1 : i32
      %add3A_268 = vector.broadcast %add3A_267 : i32 to vector<16xi32>
      %add3A_269 = arith.addi %add3A_265, %add3A_268 : vector<16xi32>
      %gather3A_270 = tpu.vector_load_idx %arg10[%add3A_269] : memref<3072xf32, #tpu.memory_space<vmem>>[vector<16xi32>], vector<16xf32>,
      %add3A_271 = arith.constant 2 : i32
      %add3A_272 = vector.broadcast %add3A_271 : i32 to vector<16xi32>
      %add3A_273 = arith.addi %add3A_265, %add3A_272 : vector<16xi32>
      %gather3A_274 = tpu.vector_load_idx %arg10[%add3A_273] : memref<3072xf32, #tpu.memory_space<vmem>>[vector<16xi32>], vector<16xf32>,
      %gather3A_275 = tpu.vector_load_idx %arg11[%add3A_265] : memref<3072xf32, #tpu.memory_space<vmem>>[vector<16xi32>], vector<16xf32>,
      %add3A_276 = arith.constant 1 : i32
      %add3A_277 = vector.broadcast %add3A_276 : i32 to vector<16xi32>
      %add3A_278 = arith.addi %add3A_265, %add3A_277 : vector<16xi32>
      %gather3A_279 = tpu.vector_load_idx %arg11[%add3A_278] : memref<3072xf32, #tpu.memory_space<vmem>>[vector<16xi32>], vector<16xf32>,
      %add3A_280 = arith.constant 2 : i32
      %add3A_281 = vector.broadcast %add3A_280 : i32 to vector<16xi32>
      %add3A_282 = arith.addi %add3A_265, %add3A_281 : vector<16xi32>
      %gather3A_283 = tpu.vector_load_idx %arg11[%add3A_282] : memref<3072xf32, #tpu.memory_space<vmem>>[vector<16xi32>], vector<16xf32>,
      %get3A_284 = arith.index_cast %mul3A_257 : i32 to index
      %get3A_285 = tpu.vector_load %arg12[%get3A_284] {strides = array<i32>} : memref<1024xi32, #tpu.memory_space<vmem>>, vector<16xi32>,
      %mul3A_286 = arith.mulf %gather3A_275, %gather3A_275 : vector<16xf32>
      %mul3A_287 = arith.mulf %gather3A_279, %gather3A_279 : vector<16xf32>
      %add3A_288 = arith.addf %mul3A_286, %mul3A_287 : vector<16xf32>
      %mul3A_289 = arith.mulf %gather3A_283, %gather3A_283 : vector<16xf32>
      %add3A_290 = arith.addf %add3A_288, %mul3A_289 : vector<16xf32>
      %gather3A_291 = tpu.vector_load_idx %arg16[%get3A_285] : memref<64xi32, #tpu.memory_space<vmem>>[vector<16xi32>], vector<16xi32>,
      %mul3A_292 = arith.constant 64 : i32
      %mul3A_293 = vector.broadcast %mul3A_292 : i32 to vector<16xi32>
      %mul3A_294 = arith.muli %get3A_285, %mul3A_293 : vector<16xi32>
      %max3A_295 = arith.maxsi %max3A_251, %gather3A_291 : vector<16xi32>
      %reduce_max3A = arith.constant true
      %reduce_max3A_296 = vector.broadcast %reduce_max3A : i1 to vector<16xi1>
      %reduce_max3A_297 = arith.constant -2147483648 : i32
      %reduce_max3A_298 = vector.broadcast %reduce_max3A_297 : i32 to vector<16xi32>
      %reduce_max3A_299 = arith.xori %max3A_295, %reduce_max3A_298 : vector<16xi32>
      %reduce_max3A_300 = tpu.scan <max>, %reduce_max3A_299 masked %reduce_max3A_296 : vector<16xi32>, vector<16xi1> -> vector<16xi32>
      %reduce_max3A_301 = arith.xori %reduce_max3A_300, %reduce_max3A_298 : vector<16xi32>
      %reduce_max3A_302 = vector.extract %reduce_max3A_301[15] : i32 from vector<16xi32>
      %while3A = arith.constant 0 : i32
      %while3A_303 = arith.subi %reduce_max3A_302, %while3A : i32
      %while3A_304 = arith.addi %while3A, %while3A_303 : i32
      %while3A_305 = arith.constant 1 : i32
      %while3A_306 = arith.divsi %while3A_303, %while3A_305 : i32
      %while3A_307 = arith.muli %while3A_306, %while3A_305 : i32
      %while3A_308 = arith.addi %while3A, %while3A_307 : i32
      %while3A_309 = arith.constant 1 : i32
      %while3A_310:2 = scf.for %while3A_313 = %while3A to %while3A_308 step %while3A_309 iter_args(%while3A_314 = %scan3A_122, %while3A_315 = %scan3A_123) -> (vector<16xf32>, vector<16xf32>)  : i32 {
        %broadcast_in_dim3A_316 = vector.broadcast %while3A_313 : i32 to vector<16xi32>
        %add3A_317 = arith.addi %mul3A_164, %broadcast_in_dim3A_316 : vector<16xi32>
        %gather3A_318 = tpu.vector_load_idx %arg17[%add3A_317] : memref<4096xf32, #tpu.memory_space<vmem>>[vector<16xi32>], vector<16xf32>,
        %gather3A_319 = tpu.vector_load_idx %arg18[%add3A_317] : memref<4096xf32, #tpu.memory_space<vmem>>[vector<16xi32>], vector<16xf32>,
        %gather3A_320 = tpu.vector_load_idx %arg19[%add3A_317] : memref<4096xf32, #tpu.memory_space<vmem>>[vector<16xi32>], vector<16xf32>,
        %gather3A_321 = tpu.vector_load_idx %arg20[%add3A_317] : memref<4096xf32, #tpu.memory_space<vmem>>[vector<16xi32>], vector<16xf32>,
        %sub3A_322 = arith.subf %gather3A_318, %gather3A : vector<16xf32>
        %sub3A_323 = arith.subf %gather3A_319, %gather3A_141 : vector<16xf32>
        %sub3A_324 = arith.subf %gather3A_320, %gather3A_145 : vector<16xf32>
        %sub3A_325 = arith.subf %gather3A_146, %sub3A_322 : vector<16xf32>
        %abs3A = math.absf %sub3A_325 : vector<16xf32>
        %sub3A_326 = arith.subf %gather3A_150, %sub3A_323 : vector<16xf32>
        %abs3A_327 = math.absf %sub3A_326 : vector<16xf32>
        %add3A_328 = arith.addf %abs3A, %abs3A_327 : vector<16xf32>
        %sub3A_329 = arith.subf %gather3A_154, %sub3A_324 : vector<16xf32>
        %abs3A_330 = math.absf %sub3A_329 : vector<16xf32>
        %add3A_331 = arith.addf %add3A_328, %abs3A_330 : vector<16xf32>
        %mul3A_332 = arith.mulf %sub3A_322, %sub3A_322 : vector<16xf32>
        %mul3A_333 = arith.mulf %sub3A_323, %sub3A_323 : vector<16xf32>
        %add3A_334 = arith.addf %mul3A_332, %mul3A_333 : vector<16xf32>
        %mul3A_335 = arith.mulf %sub3A_324, %sub3A_324 : vector<16xf32>
        %add3A_336 = arith.addf %add3A_334, %mul3A_335 : vector<16xf32>
        %mul3A_337 = arith.mulf %gather3A_146, %sub3A_322 : vector<16xf32>
        %mul3A_338 = arith.mulf %gather3A_150, %sub3A_323 : vector<16xf32>
        %add3A_339 = arith.addf %mul3A_337, %mul3A_338 : vector<16xf32>
        %mul3A_340 = arith.mulf %gather3A_154, %sub3A_324 : vector<16xf32>
        %add3A_341 = arith.addf %add3A_339, %mul3A_340 : vector<16xf32>
        %neg3A = arith.constant 0.000000e+00 : f32
        %neg3A_342 = vector.broadcast %neg3A : f32 to vector<16xf32>
        %neg3A_343 = arith.subf %neg3A_342, %add3A_341 : vector<16xf32>
        %mul3A_344 = arith.mulf %add3A_160, %add3A_336 : vector<16xf32>
        %bitcast_convert_type3A = tpu.bitcast %mul3A_344 : vector<16xf32> -> vector<16xi32>
        %shift_right_arithmetic3A = arith.constant 1 : i32
        %shift_right_arithmetic3A_345 = vector.broadcast %shift_right_arithmetic3A : i32 to vector<16xi32>
        %shift_right_arithmetic3A_346 = arith.shrsi %bitcast_convert_type3A, %shift_right_arithmetic3A_345 : vector<16xi32>
        %sub3A_347 = arith.constant 1597463007 : i32
        %sub3A_348 = vector.broadcast %sub3A_347 : i32 to vector<16xi32>
        %sub3A_349 = arith.subi %sub3A_348, %shift_right_arithmetic3A_346 : vector<16xi32>
        %bitcast_convert_type3A_350 = tpu.bitcast %sub3A_349 : vector<16xi32> -> vector<16xf32>
        %mul3A_351 = arith.constant 5.000000e-01 : f32
        %mul3A_352 = vector.broadcast %mul3A_351 : f32 to vector<16xf32>
        %mul3A_353 = arith.mulf %mul3A_352, %mul3A_344 : vector<16xf32>
        %mul3A_354 = arith.mulf %mul3A_353, %bitcast_convert_type3A_350 : vector<16xf32>
        %mul3A_355 = arith.mulf %mul3A_354, %bitcast_convert_type3A_350 : vector<16xf32>
        %sub3A_356 = arith.constant 1.500000e+00 : f32
        %sub3A_357 = vector.broadcast %sub3A_356 : f32 to vector<16xf32>
        %sub3A_358 = arith.subf %sub3A_357, %mul3A_355 : vector<16xf32>
        %mul3A_359 = arith.mulf %bitcast_convert_type3A_350, %sub3A_358 : vector<16xf32>
        %mul3A_360 = arith.constant 5.000000e-01 : f32
        %mul3A_361 = vector.broadcast %mul3A_360 : f32 to vector<16xf32>
        %mul3A_362 = arith.mulf %mul3A_361, %mul3A_344 : vector<16xf32>
        %mul3A_363 = arith.mulf %mul3A_362, %mul3A_359 : vector<16xf32>
        %mul3A_364 = arith.mulf %mul3A_363, %mul3A_359 : vector<16xf32>
        %sub3A_365 = arith.constant 1.500000e+00 : f32
        %sub3A_366 = vector.broadcast %sub3A_365 : f32 to vector<16xf32>
        %sub3A_367 = arith.subf %sub3A_366, %mul3A_364 : vector<16xf32>
        %mul3A_368 = arith.mulf %mul3A_359, %sub3A_367 : vector<16xf32>
        %mul3A_369 = arith.mulf %neg3A_343, %mul3A_368 : vector<16xf32>
        %mul3A_370 = arith.mulf %add3A_331, %gather3A_321 : vector<16xf32>
        %add3A_371 = arith.addf %while3A_314, %mul3A_370 : vector<16xf32>
        %mul3A_372 = arith.mulf %mul3A_369, %gather3A_321 : vector<16xf32>
        %add3A_373 = arith.addf %while3A_315, %mul3A_372 : vector<16xf32>
        %add3A_374 = arith.addi %mul3A_207, %broadcast_in_dim3A_316 : vector<16xi32>
        %gather3A_375 = tpu.vector_load_idx %arg17[%add3A_374] : memref<4096xf32, #tpu.memory_space<vmem>>[vector<16xi32>], vector<16xf32>,
        %gather3A_376 = tpu.vector_load_idx %arg18[%add3A_374] : memref<4096xf32, #tpu.memory_space<vmem>>[vector<16xi32>], vector<16xf32>,
        %gather3A_377 = tpu.vector_load_idx %arg19[%add3A_374] : memref<4096xf32, #tpu.memory_space<vmem>>[vector<16xi32>], vector<16xf32>,
        %gather3A_378 = tpu.vector_load_idx %arg20[%add3A_374] : memref<4096xf32, #tpu.memory_space<vmem>>[vector<16xi32>], vector<16xf32>,
        %sub3A_379 = arith.subf %gather3A_375, %gather3A_179 : vector<16xf32>
        %sub3A_380 = arith.subf %gather3A_376, %gather3A_183 : vector<16xf32>
        %sub3A_381 = arith.subf %gather3A_377, %gather3A_187 : vector<16xf32>
        %sub3A_382 = arith.subf %gather3A_188, %sub3A_379 : vector<16xf32>
        %abs3A_383 = math.absf %sub3A_382 : vector<16xf32>
        %sub3A_384 = arith.subf %gather3A_192, %sub3A_380 : vector<16xf32>
        %abs3A_385 = math.absf %sub3A_384 : vector<16xf32>
        %add3A_386 = arith.addf %abs3A_383, %abs3A_385 : vector<16xf32>
        %sub3A_387 = arith.subf %gather3A_196, %sub3A_381 : vector<16xf32>
        %abs3A_388 = math.absf %sub3A_387 : vector<16xf32>
        %add3A_389 = arith.addf %add3A_386, %abs3A_388 : vector<16xf32>
        %mul3A_390 = arith.mulf %sub3A_379, %sub3A_379 : vector<16xf32>
        %mul3A_391 = arith.mulf %sub3A_380, %sub3A_380 : vector<16xf32>
        %add3A_392 = arith.addf %mul3A_390, %mul3A_391 : vector<16xf32>
        %mul3A_393 = arith.mulf %sub3A_381, %sub3A_381 : vector<16xf32>
        %add3A_394 = arith.addf %add3A_392, %mul3A_393 : vector<16xf32>
        %mul3A_395 = arith.mulf %gather3A_188, %sub3A_379 : vector<16xf32>
        %mul3A_396 = arith.mulf %gather3A_192, %sub3A_380 : vector<16xf32>
        %add3A_397 = arith.addf %mul3A_395, %mul3A_396 : vector<16xf32>
        %mul3A_398 = arith.mulf %gather3A_196, %sub3A_381 : vector<16xf32>
        %add3A_399 = arith.addf %add3A_397, %mul3A_398 : vector<16xf32>
        %neg3A_400 = arith.constant 0.000000e+00 : f32
        %neg3A_401 = vector.broadcast %neg3A_400 : f32 to vector<16xf32>
        %neg3A_402 = arith.subf %neg3A_401, %add3A_399 : vector<16xf32>
        %mul3A_403 = arith.mulf %add3A_203, %add3A_394 : vector<16xf32>
        %bitcast_convert_type3A_404 = tpu.bitcast %mul3A_403 : vector<16xf32> -> vector<16xi32>
        %shift_right_arithmetic3A_405 = arith.constant 1 : i32
        %shift_right_arithmetic3A_406 = vector.broadcast %shift_right_arithmetic3A_405 : i32 to vector<16xi32>
        %shift_right_arithmetic3A_407 = arith.shrsi %bitcast_convert_type3A_404, %shift_right_arithmetic3A_406 : vector<16xi32>
        %sub3A_408 = arith.constant 1597463007 : i32
        %sub3A_409 = vector.broadcast %sub3A_408 : i32 to vector<16xi32>
        %sub3A_410 = arith.subi %sub3A_409, %shift_right_arithmetic3A_407 : vector<16xi32>
        %bitcast_convert_type3A_411 = tpu.bitcast %sub3A_410 : vector<16xi32> -> vector<16xf32>
        %mul3A_412 = arith.constant 5.000000e-01 : f32
        %mul3A_413 = vector.broadcast %mul3A_412 : f32 to vector<16xf32>
        %mul3A_414 = arith.mulf %mul3A_413, %mul3A_403 : vector<16xf32>
        %mul3A_415 = arith.mulf %mul3A_414, %bitcast_convert_type3A_411 : vector<16xf32>
        %mul3A_416 = arith.mulf %mul3A_415, %bitcast_convert_type3A_411 : vector<16xf32>
        %sub3A_417 = arith.constant 1.500000e+00 : f32
        %sub3A_418 = vector.broadcast %sub3A_417 : f32 to vector<16xf32>
        %sub3A_419 = arith.subf %sub3A_418, %mul3A_416 : vector<16xf32>
        %mul3A_420 = arith.mulf %bitcast_convert_type3A_411, %sub3A_419 : vector<16xf32>
        %mul3A_421 = arith.constant 5.000000e-01 : f32
        %mul3A_422 = vector.broadcast %mul3A_421 : f32 to vector<16xf32>
        %mul3A_423 = arith.mulf %mul3A_422, %mul3A_403 : vector<16xf32>
        %mul3A_424 = arith.mulf %mul3A_423, %mul3A_420 : vector<16xf32>
        %mul3A_425 = arith.mulf %mul3A_424, %mul3A_420 : vector<16xf32>
        %sub3A_426 = arith.constant 1.500000e+00 : f32
        %sub3A_427 = vector.broadcast %sub3A_426 : f32 to vector<16xf32>
        %sub3A_428 = arith.subf %sub3A_427, %mul3A_425 : vector<16xf32>
        %mul3A_429 = arith.mulf %mul3A_420, %sub3A_428 : vector<16xf32>
        %mul3A_430 = arith.mulf %neg3A_402, %mul3A_429 : vector<16xf32>
        %mul3A_431 = arith.mulf %add3A_389, %gather3A_378 : vector<16xf32>
        %add3A_432 = arith.addf %add3A_371, %mul3A_431 : vector<16xf32>
        %mul3A_433 = arith.mulf %mul3A_430, %gather3A_378 : vector<16xf32>
        %add3A_434 = arith.addf %add3A_373, %mul3A_433 : vector<16xf32>
        %add3A_435 = arith.addi %mul3A_250, %broadcast_in_dim3A_316 : vector<16xi32>
        %gather3A_436 = tpu.vector_load_idx %arg17[%add3A_435] : memref<4096xf32, #tpu.memory_space<vmem>>[vector<16xi32>], vector<16xf32>,
        %gather3A_437 = tpu.vector_load_idx %arg18[%add3A_435] : memref<4096xf32, #tpu.memory_space<vmem>>[vector<16xi32>], vector<16xf32>,
        %gather3A_438 = tpu.vector_load_idx %arg19[%add3A_435] : memref<4096xf32, #tpu.memory_space<vmem>>[vector<16xi32>], vector<16xf32>,
        %gather3A_439 = tpu.vector_load_idx %arg20[%add3A_435] : memref<4096xf32, #tpu.memory_space<vmem>>[vector<16xi32>], vector<16xf32>,
        %sub3A_440 = arith.subf %gather3A_436, %gather3A_222 : vector<16xf32>
        %sub3A_441 = arith.subf %gather3A_437, %gather3A_226 : vector<16xf32>
        %sub3A_442 = arith.subf %gather3A_438, %gather3A_230 : vector<16xf32>
        %sub3A_443 = arith.subf %gather3A_231, %sub3A_440 : vector<16xf32>
        %abs3A_444 = math.absf %sub3A_443 : vector<16xf32>
        %sub3A_445 = arith.subf %gather3A_235, %sub3A_441 : vector<16xf32>
        %abs3A_446 = math.absf %sub3A_445 : vector<16xf32>
        %add3A_447 = arith.addf %abs3A_444, %abs3A_446 : vector<16xf32>
        %sub3A_448 = arith.subf %gather3A_239, %sub3A_442 : vector<16xf32>
        %abs3A_449 = math.absf %sub3A_448 : vector<16xf32>
        %add3A_450 = arith.addf %add3A_447, %abs3A_449 : vector<16xf32>
        %mul3A_451 = arith.mulf %sub3A_440, %sub3A_440 : vector<16xf32>
        %mul3A_452 = arith.mulf %sub3A_441, %sub3A_441 : vector<16xf32>
        %add3A_453 = arith.addf %mul3A_451, %mul3A_452 : vector<16xf32>
        %mul3A_454 = arith.mulf %sub3A_442, %sub3A_442 : vector<16xf32>
        %add3A_455 = arith.addf %add3A_453, %mul3A_454 : vector<16xf32>
        %mul3A_456 = arith.mulf %gather3A_231, %sub3A_440 : vector<16xf32>
        %mul3A_457 = arith.mulf %gather3A_235, %sub3A_441 : vector<16xf32>
        %add3A_458 = arith.addf %mul3A_456, %mul3A_457 : vector<16xf32>
        %mul3A_459 = arith.mulf %gather3A_239, %sub3A_442 : vector<16xf32>
        %add3A_460 = arith.addf %add3A_458, %mul3A_459 : vector<16xf32>
        %neg3A_461 = arith.constant 0.000000e+00 : f32
        %neg3A_462 = vector.broadcast %neg3A_461 : f32 to vector<16xf32>
        %neg3A_463 = arith.subf %neg3A_462, %add3A_460 : vector<16xf32>
        %mul3A_464 = arith.mulf %add3A_246, %add3A_455 : vector<16xf32>
        %bitcast_convert_type3A_465 = tpu.bitcast %mul3A_464 : vector<16xf32> -> vector<16xi32>
        %shift_right_arithmetic3A_466 = arith.constant 1 : i32
        %shift_right_arithmetic3A_467 = vector.broadcast %shift_right_arithmetic3A_466 : i32 to vector<16xi32>
        %shift_right_arithmetic3A_468 = arith.shrsi %bitcast_convert_type3A_465, %shift_right_arithmetic3A_467 : vector<16xi32>
        %sub3A_469 = arith.constant 1597463007 : i32
        %sub3A_470 = vector.broadcast %sub3A_469 : i32 to vector<16xi32>
        %sub3A_471 = arith.subi %sub3A_470, %shift_right_arithmetic3A_468 : vector<16xi32>
        %bitcast_convert_type3A_472 = tpu.bitcast %sub3A_471 : vector<16xi32> -> vector<16xf32>
        %mul3A_473 = arith.constant 5.000000e-01 : f32
        %mul3A_474 = vector.broadcast %mul3A_473 : f32 to vector<16xf32>
        %mul3A_475 = arith.mulf %mul3A_474, %mul3A_464 : vector<16xf32>
        %mul3A_476 = arith.mulf %mul3A_475, %bitcast_convert_type3A_472 : vector<16xf32>
        %mul3A_477 = arith.mulf %mul3A_476, %bitcast_convert_type3A_472 : vector<16xf32>
        %sub3A_478 = arith.constant 1.500000e+00 : f32
        %sub3A_479 = vector.broadcast %sub3A_478 : f32 to vector<16xf32>
        %sub3A_480 = arith.subf %sub3A_479, %mul3A_477 : vector<16xf32>
        %mul3A_481 = arith.mulf %bitcast_convert_type3A_472, %sub3A_480 : vector<16xf32>
        %mul3A_482 = arith.constant 5.000000e-01 : f32
        %mul3A_483 = vector.broadcast %mul3A_482 : f32 to vector<16xf32>
        %mul3A_484 = arith.mulf %mul3A_483, %mul3A_464 : vector<16xf32>
        %mul3A_485 = arith.mulf %mul3A_484, %mul3A_481 : vector<16xf32>
        %mul3A_486 = arith.mulf %mul3A_485, %mul3A_481 : vector<16xf32>
        %sub3A_487 = arith.constant 1.500000e+00 : f32
        %sub3A_488 = vector.broadcast %sub3A_487 : f32 to vector<16xf32>
        %sub3A_489 = arith.subf %sub3A_488, %mul3A_486 : vector<16xf32>
        %mul3A_490 = arith.mulf %mul3A_481, %sub3A_489 : vector<16xf32>
        %mul3A_491 = arith.mulf %neg3A_463, %mul3A_490 : vector<16xf32>
        %mul3A_492 = arith.mulf %add3A_450, %gather3A_439 : vector<16xf32>
        %add3A_493 = arith.addf %add3A_432, %mul3A_492 : vector<16xf32>
        %mul3A_494 = arith.mulf %mul3A_491, %gather3A_439 : vector<16xf32>
        %add3A_495 = arith.addf %add3A_434, %mul3A_494 : vector<16xf32>
        %add3A_496 = arith.addi %mul3A_294, %broadcast_in_dim3A_316 : vector<16xi32>
        %gather3A_497 = tpu.vector_load_idx %arg17[%add3A_496] : memref<4096xf32, #tpu.memory_space<vmem>>[vector<16xi32>], vector<16xf32>,
        %gather3A_498 = tpu.vector_load_idx %arg18[%add3A_496] : memref<4096xf32, #tpu.memory_space<vmem>>[vector<16xi32>], vector<16xf32>,
        %gather3A_499 = tpu.vector_load_idx %arg19[%add3A_496] : memref<4096xf32, #tpu.memory_space<vmem>>[vector<16xi32>], vector<16xf32>,
        %gather3A_500 = tpu.vector_load_idx %arg20[%add3A_496] : memref<4096xf32, #tpu.memory_space<vmem>>[vector<16xi32>], vector<16xf32>,
        %sub3A_501 = arith.subf %gather3A_497, %gather3A_266 : vector<16xf32>
        %sub3A_502 = arith.subf %gather3A_498, %gather3A_270 : vector<16xf32>
        %sub3A_503 = arith.subf %gather3A_499, %gather3A_274 : vector<16xf32>
        %sub3A_504 = arith.subf %gather3A_275, %sub3A_501 : vector<16xf32>
        %abs3A_505 = math.absf %sub3A_504 : vector<16xf32>
        %sub3A_506 = arith.subf %gather3A_279, %sub3A_502 : vector<16xf32>
        %abs3A_507 = math.absf %sub3A_506 : vector<16xf32>
        %add3A_508 = arith.addf %abs3A_505, %abs3A_507 : vector<16xf32>
        %sub3A_509 = arith.subf %gather3A_283, %sub3A_503 : vector<16xf32>
        %abs3A_510 = math.absf %sub3A_509 : vector<16xf32>
        %add3A_511 = arith.addf %add3A_508, %abs3A_510 : vector<16xf32>
        %mul3A_512 = arith.mulf %sub3A_501, %sub3A_501 : vector<16xf32>
        %mul3A_513 = arith.mulf %sub3A_502, %sub3A_502 : vector<16xf32>
        %add3A_514 = arith.addf %mul3A_512, %mul3A_513 : vector<16xf32>
        %mul3A_515 = arith.mulf %sub3A_503, %sub3A_503 : vector<16xf32>
        %add3A_516 = arith.addf %add3A_514, %mul3A_515 : vector<16xf32>
        %mul3A_517 = arith.mulf %gather3A_275, %sub3A_501 : vector<16xf32>
        %mul3A_518 = arith.mulf %gather3A_279, %sub3A_502 : vector<16xf32>
        %add3A_519 = arith.addf %mul3A_517, %mul3A_518 : vector<16xf32>
        %mul3A_520 = arith.mulf %gather3A_283, %sub3A_503 : vector<16xf32>
        %add3A_521 = arith.addf %add3A_519, %mul3A_520 : vector<16xf32>
        %neg3A_522 = arith.constant 0.000000e+00 : f32
        %neg3A_523 = vector.broadcast %neg3A_522 : f32 to vector<16xf32>
        %neg3A_524 = arith.subf %neg3A_523, %add3A_521 : vector<16xf32>
        %mul3A_525 = arith.mulf %add3A_290, %add3A_516 : vector<16xf32>
        %bitcast_convert_type3A_526 = tpu.bitcast %mul3A_525 : vector<16xf32> -> vector<16xi32>
        %shift_right_arithmetic3A_527 = arith.constant 1 : i32
        %shift_right_arithmetic3A_528 = vector.broadcast %shift_right_arithmetic3A_527 : i32 to vector<16xi32>
        %shift_right_arithmetic3A_529 = arith.shrsi %bitcast_convert_type3A_526, %shift_right_arithmetic3A_528 : vector<16xi32>
        %sub3A_530 = arith.constant 1597463007 : i32
        %sub3A_531 = vector.broadcast %sub3A_530 : i32 to vector<16xi32>
        %sub3A_532 = arith.subi %sub3A_531, %shift_right_arithmetic3A_529 : vector<16xi32>
        %bitcast_convert_type3A_533 = tpu.bitcast %sub3A_532 : vector<16xi32> -> vector<16xf32>
        %mul3A_534 = arith.constant 5.000000e-01 : f32
        %mul3A_535 = vector.broadcast %mul3A_534 : f32 to vector<16xf32>
        %mul3A_536 = arith.mulf %mul3A_535, %mul3A_525 : vector<16xf32>
        %mul3A_537 = arith.mulf %mul3A_536, %bitcast_convert_type3A_533 : vector<16xf32>
        %mul3A_538 = arith.mulf %mul3A_537, %bitcast_convert_type3A_533 : vector<16xf32>
        %sub3A_539 = arith.constant 1.500000e+00 : f32
        %sub3A_540 = vector.broadcast %sub3A_539 : f32 to vector<16xf32>
        %sub3A_541 = arith.subf %sub3A_540, %mul3A_538 : vector<16xf32>
        %mul3A_542 = arith.mulf %bitcast_convert_type3A_533, %sub3A_541 : vector<16xf32>
        %mul3A_543 = arith.constant 5.000000e-01 : f32
        %mul3A_544 = vector.broadcast %mul3A_543 : f32 to vector<16xf32>
        %mul3A_545 = arith.mulf %mul3A_544, %mul3A_525 : vector<16xf32>
        %mul3A_546 = arith.mulf %mul3A_545, %mul3A_542 : vector<16xf32>
        %mul3A_547 = arith.mulf %mul3A_546, %mul3A_542 : vector<16xf32>
        %sub3A_548 = arith.constant 1.500000e+00 : f32
        %sub3A_549 = vector.broadcast %sub3A_548 : f32 to vector<16xf32>
        %sub3A_550 = arith.subf %sub3A_549, %mul3A_547 : vector<16xf32>
        %mul3A_551 = arith.mulf %mul3A_542, %sub3A_550 : vector<16xf32>
        %mul3A_552 = arith.mulf %neg3A_524, %mul3A_551 : vector<16xf32>
        %mul3A_553 = arith.mulf %add3A_511, %gather3A_500 : vector<16xf32>
        %add3A_554 = arith.addf %add3A_493, %mul3A_553 : vector<16xf32>
        %mul3A_555 = arith.mulf %mul3A_552, %gather3A_500 : vector<16xf32>
        %add3A_556 = arith.addf %add3A_495, %mul3A_555 : vector<16xf32>
        scf.yield %add3A_554, %add3A_556 : vector<16xf32>, vector<16xf32>
      }
      %while3A_311 = arith.constant 1 : i32
      %while3A_312:2 = scf.for %while3A_313 = %while3A_308 to %while3A_304 step %while3A_311 iter_args(%while3A_314 = %while3A_310#0, %while3A_315 = %while3A_310#1) -> (vector<16xf32>, vector<16xf32>)  : i32 {
        %broadcast_in_dim3A_316 = vector.broadcast %while3A_313 : i32 to vector<16xi32>
        %add3A_317 = arith.addi %mul3A_164, %broadcast_in_dim3A_316 : vector<16xi32>
        %gather3A_318 = tpu.vector_load_idx %arg17[%add3A_317] : memref<4096xf32, #tpu.memory_space<vmem>>[vector<16xi32>], vector<16xf32>,
        %gather3A_319 = tpu.vector_load_idx %arg18[%add3A_317] : memref<4096xf32, #tpu.memory_space<vmem>>[vector<16xi32>], vector<16xf32>,
        %gather3A_320 = tpu.vector_load_idx %arg19[%add3A_317] : memref<4096xf32, #tpu.memory_space<vmem>>[vector<16xi32>], vector<16xf32>,
        %gather3A_321 = tpu.vector_load_idx %arg20[%add3A_317] : memref<4096xf32, #tpu.memory_space<vmem>>[vector<16xi32>], vector<16xf32>,
        %sub3A_322 = arith.subf %gather3A_318, %gather3A : vector<16xf32>
        %sub3A_323 = arith.subf %gather3A_319, %gather3A_141 : vector<16xf32>
        %sub3A_324 = arith.subf %gather3A_320, %gather3A_145 : vector<16xf32>
        %sub3A_325 = arith.subf %gather3A_146, %sub3A_322 : vector<16xf32>
        %abs3A = math.absf %sub3A_325 : vector<16xf32>
        %sub3A_326 = arith.subf %gather3A_150, %sub3A_323 : vector<16xf32>
        %abs3A_327 = math.absf %sub3A_326 : vector<16xf32>
        %add3A_328 = arith.addf %abs3A, %abs3A_327 : vector<16xf32>
        %sub3A_329 = arith.subf %gather3A_154, %sub3A_324 : vector<16xf32>
        %abs3A_330 = math.absf %sub3A_329 : vector<16xf32>
        %add3A_331 = arith.addf %add3A_328, %abs3A_330 : vector<16xf32>
        %mul3A_332 = arith.mulf %sub3A_322, %sub3A_322 : vector<16xf32>
        %mul3A_333 = arith.mulf %sub3A_323, %sub3A_323 : vector<16xf32>
        %add3A_334 = arith.addf %mul3A_332, %mul3A_333 : vector<16xf32>
        %mul3A_335 = arith.mulf %sub3A_324, %sub3A_324 : vector<16xf32>
        %add3A_336 = arith.addf %add3A_334, %mul3A_335 : vector<16xf32>
        %mul3A_337 = arith.mulf %gather3A_146, %sub3A_322 : vector<16xf32>
        %mul3A_338 = arith.mulf %gather3A_150, %sub3A_323 : vector<16xf32>
        %add3A_339 = arith.addf %mul3A_337, %mul3A_338 : vector<16xf32>
        %mul3A_340 = arith.mulf %gather3A_154, %sub3A_324 : vector<16xf32>
        %add3A_341 = arith.addf %add3A_339, %mul3A_340 : vector<16xf32>
        %neg3A = arith.constant 0.000000e+00 : f32
        %neg3A_342 = vector.broadcast %neg3A : f32 to vector<16xf32>
        %neg3A_343 = arith.subf %neg3A_342, %add3A_341 : vector<16xf32>
        %mul3A_344 = arith.mulf %add3A_160, %add3A_336 : vector<16xf32>
        %bitcast_convert_type3A = tpu.bitcast %mul3A_344 : vector<16xf32> -> vector<16xi32>
        %shift_right_arithmetic3A = arith.constant 1 : i32
        %shift_right_arithmetic3A_345 = vector.broadcast %shift_right_arithmetic3A : i32 to vector<16xi32>
        %shift_right_arithmetic3A_346 = arith.shrsi %bitcast_convert_type3A, %shift_right_arithmetic3A_345 : vector<16xi32>
        %sub3A_347 = arith.constant 1597463007 : i32
        %sub3A_348 = vector.broadcast %sub3A_347 : i32 to vector<16xi32>
        %sub3A_349 = arith.subi %sub3A_348, %shift_right_arithmetic3A_346 : vector<16xi32>
        %bitcast_convert_type3A_350 = tpu.bitcast %sub3A_349 : vector<16xi32> -> vector<16xf32>
        %mul3A_351 = arith.constant 5.000000e-01 : f32
        %mul3A_352 = vector.broadcast %mul3A_351 : f32 to vector<16xf32>
        %mul3A_353 = arith.mulf %mul3A_352, %mul3A_344 : vector<16xf32>
        %mul3A_354 = arith.mulf %mul3A_353, %bitcast_convert_type3A_350 : vector<16xf32>
        %mul3A_355 = arith.mulf %mul3A_354, %bitcast_convert_type3A_350 : vector<16xf32>
        %sub3A_356 = arith.constant 1.500000e+00 : f32
        %sub3A_357 = vector.broadcast %sub3A_356 : f32 to vector<16xf32>
        %sub3A_358 = arith.subf %sub3A_357, %mul3A_355 : vector<16xf32>
        %mul3A_359 = arith.mulf %bitcast_convert_type3A_350, %sub3A_358 : vector<16xf32>
        %mul3A_360 = arith.constant 5.000000e-01 : f32
        %mul3A_361 = vector.broadcast %mul3A_360 : f32 to vector<16xf32>
        %mul3A_362 = arith.mulf %mul3A_361, %mul3A_344 : vector<16xf32>
        %mul3A_363 = arith.mulf %mul3A_362, %mul3A_359 : vector<16xf32>
        %mul3A_364 = arith.mulf %mul3A_363, %mul3A_359 : vector<16xf32>
        %sub3A_365 = arith.constant 1.500000e+00 : f32
        %sub3A_366 = vector.broadcast %sub3A_365 : f32 to vector<16xf32>
        %sub3A_367 = arith.subf %sub3A_366, %mul3A_364 : vector<16xf32>
        %mul3A_368 = arith.mulf %mul3A_359, %sub3A_367 : vector<16xf32>
        %mul3A_369 = arith.mulf %neg3A_343, %mul3A_368 : vector<16xf32>
        %mul3A_370 = arith.mulf %add3A_331, %gather3A_321 : vector<16xf32>
        %add3A_371 = arith.addf %while3A_314, %mul3A_370 : vector<16xf32>
        %mul3A_372 = arith.mulf %mul3A_369, %gather3A_321 : vector<16xf32>
        %add3A_373 = arith.addf %while3A_315, %mul3A_372 : vector<16xf32>
        %add3A_374 = arith.addi %mul3A_207, %broadcast_in_dim3A_316 : vector<16xi32>
        %gather3A_375 = tpu.vector_load_idx %arg17[%add3A_374] : memref<4096xf32, #tpu.memory_space<vmem>>[vector<16xi32>], vector<16xf32>,
        %gather3A_376 = tpu.vector_load_idx %arg18[%add3A_374] : memref<4096xf32, #tpu.memory_space<vmem>>[vector<16xi32>], vector<16xf32>,
        %gather3A_377 = tpu.vector_load_idx %arg19[%add3A_374] : memref<4096xf32, #tpu.memory_space<vmem>>[vector<16xi32>], vector<16xf32>,
        %gather3A_378 = tpu.vector_load_idx %arg20[%add3A_374] : memref<4096xf32, #tpu.memory_space<vmem>>[vector<16xi32>], vector<16xf32>,
        %sub3A_379 = arith.subf %gather3A_375, %gather3A_179 : vector<16xf32>
        %sub3A_380 = arith.subf %gather3A_376, %gather3A_183 : vector<16xf32>
        %sub3A_381 = arith.subf %gather3A_377, %gather3A_187 : vector<16xf32>
        %sub3A_382 = arith.subf %gather3A_188, %sub3A_379 : vector<16xf32>
        %abs3A_383 = math.absf %sub3A_382 : vector<16xf32>
        %sub3A_384 = arith.subf %gather3A_192, %sub3A_380 : vector<16xf32>
        %abs3A_385 = math.absf %sub3A_384 : vector<16xf32>
        %add3A_386 = arith.addf %abs3A_383, %abs3A_385 : vector<16xf32>
        %sub3A_387 = arith.subf %gather3A_196, %sub3A_381 : vector<16xf32>
        %abs3A_388 = math.absf %sub3A_387 : vector<16xf32>
        %add3A_389 = arith.addf %add3A_386, %abs3A_388 : vector<16xf32>
        %mul3A_390 = arith.mulf %sub3A_379, %sub3A_379 : vector<16xf32>
        %mul3A_391 = arith.mulf %sub3A_380, %sub3A_380 : vector<16xf32>
        %add3A_392 = arith.addf %mul3A_390, %mul3A_391 : vector<16xf32>
        %mul3A_393 = arith.mulf %sub3A_381, %sub3A_381 : vector<16xf32>
        %add3A_394 = arith.addf %add3A_392, %mul3A_393 : vector<16xf32>
        %mul3A_395 = arith.mulf %gather3A_188, %sub3A_379 : vector<16xf32>
        %mul3A_396 = arith.mulf %gather3A_192, %sub3A_380 : vector<16xf32>
        %add3A_397 = arith.addf %mul3A_395, %mul3A_396 : vector<16xf32>
        %mul3A_398 = arith.mulf %gather3A_196, %sub3A_381 : vector<16xf32>
        %add3A_399 = arith.addf %add3A_397, %mul3A_398 : vector<16xf32>
        %neg3A_400 = arith.constant 0.000000e+00 : f32
        %neg3A_401 = vector.broadcast %neg3A_400 : f32 to vector<16xf32>
        %neg3A_402 = arith.subf %neg3A_401, %add3A_399 : vector<16xf32>
        %mul3A_403 = arith.mulf %add3A_203, %add3A_394 : vector<16xf32>
        %bitcast_convert_type3A_404 = tpu.bitcast %mul3A_403 : vector<16xf32> -> vector<16xi32>
        %shift_right_arithmetic3A_405 = arith.constant 1 : i32
        %shift_right_arithmetic3A_406 = vector.broadcast %shift_right_arithmetic3A_405 : i32 to vector<16xi32>
        %shift_right_arithmetic3A_407 = arith.shrsi %bitcast_convert_type3A_404, %shift_right_arithmetic3A_406 : vector<16xi32>
        %sub3A_408 = arith.constant 1597463007 : i32
        %sub3A_409 = vector.broadcast %sub3A_408 : i32 to vector<16xi32>
        %sub3A_410 = arith.subi %sub3A_409, %shift_right_arithmetic3A_407 : vector<16xi32>
        %bitcast_convert_type3A_411 = tpu.bitcast %sub3A_410 : vector<16xi32> -> vector<16xf32>
        %mul3A_412 = arith.constant 5.000000e-01 : f32
        %mul3A_413 = vector.broadcast %mul3A_412 : f32 to vector<16xf32>
        %mul3A_414 = arith.mulf %mul3A_413, %mul3A_403 : vector<16xf32>
        %mul3A_415 = arith.mulf %mul3A_414, %bitcast_convert_type3A_411 : vector<16xf32>
        %mul3A_416 = arith.mulf %mul3A_415, %bitcast_convert_type3A_411 : vector<16xf32>
        %sub3A_417 = arith.constant 1.500000e+00 : f32
        %sub3A_418 = vector.broadcast %sub3A_417 : f32 to vector<16xf32>
        %sub3A_419 = arith.subf %sub3A_418, %mul3A_416 : vector<16xf32>
        %mul3A_420 = arith.mulf %bitcast_convert_type3A_411, %sub3A_419 : vector<16xf32>
        %mul3A_421 = arith.constant 5.000000e-01 : f32
        %mul3A_422 = vector.broadcast %mul3A_421 : f32 to vector<16xf32>
        %mul3A_423 = arith.mulf %mul3A_422, %mul3A_403 : vector<16xf32>
        %mul3A_424 = arith.mulf %mul3A_423, %mul3A_420 : vector<16xf32>
        %mul3A_425 = arith.mulf %mul3A_424, %mul3A_420 : vector<16xf32>
        %sub3A_426 = arith.constant 1.500000e+00 : f32
        %sub3A_427 = vector.broadcast %sub3A_426 : f32 to vector<16xf32>
        %sub3A_428 = arith.subf %sub3A_427, %mul3A_425 : vector<16xf32>
        %mul3A_429 = arith.mulf %mul3A_420, %sub3A_428 : vector<16xf32>
        %mul3A_430 = arith.mulf %neg3A_402, %mul3A_429 : vector<16xf32>
        %mul3A_431 = arith.mulf %add3A_389, %gather3A_378 : vector<16xf32>
        %add3A_432 = arith.addf %add3A_371, %mul3A_431 : vector<16xf32>
        %mul3A_433 = arith.mulf %mul3A_430, %gather3A_378 : vector<16xf32>
        %add3A_434 = arith.addf %add3A_373, %mul3A_433 : vector<16xf32>
        %add3A_435 = arith.addi %mul3A_250, %broadcast_in_dim3A_316 : vector<16xi32>
        %gather3A_436 = tpu.vector_load_idx %arg17[%add3A_435] : memref<4096xf32, #tpu.memory_space<vmem>>[vector<16xi32>], vector<16xf32>,
        %gather3A_437 = tpu.vector_load_idx %arg18[%add3A_435] : memref<4096xf32, #tpu.memory_space<vmem>>[vector<16xi32>], vector<16xf32>,
        %gather3A_438 = tpu.vector_load_idx %arg19[%add3A_435] : memref<4096xf32, #tpu.memory_space<vmem>>[vector<16xi32>], vector<16xf32>,
        %gather3A_439 = tpu.vector_load_idx %arg20[%add3A_435] : memref<4096xf32, #tpu.memory_space<vmem>>[vector<16xi32>], vector<16xf32>,
        %sub3A_440 = arith.subf %gather3A_436, %gather3A_222 : vector<16xf32>
        %sub3A_441 = arith.subf %gather3A_437, %gather3A_226 : vector<16xf32>
        %sub3A_442 = arith.subf %gather3A_438, %gather3A_230 : vector<16xf32>
        %sub3A_443 = arith.subf %gather3A_231, %sub3A_440 : vector<16xf32>
        %abs3A_444 = math.absf %sub3A_443 : vector<16xf32>
        %sub3A_445 = arith.subf %gather3A_235, %sub3A_441 : vector<16xf32>
        %abs3A_446 = math.absf %sub3A_445 : vector<16xf32>
        %add3A_447 = arith.addf %abs3A_444, %abs3A_446 : vector<16xf32>
        %sub3A_448 = arith.subf %gather3A_239, %sub3A_442 : vector<16xf32>
        %abs3A_449 = math.absf %sub3A_448 : vector<16xf32>
        %add3A_450 = arith.addf %add3A_447, %abs3A_449 : vector<16xf32>
        %mul3A_451 = arith.mulf %sub3A_440, %sub3A_440 : vector<16xf32>
        %mul3A_452 = arith.mulf %sub3A_441, %sub3A_441 : vector<16xf32>
        %add3A_453 = arith.addf %mul3A_451, %mul3A_452 : vector<16xf32>
        %mul3A_454 = arith.mulf %sub3A_442, %sub3A_442 : vector<16xf32>
        %add3A_455 = arith.addf %add3A_453, %mul3A_454 : vector<16xf32>
        %mul3A_456 = arith.mulf %gather3A_231, %sub3A_440 : vector<16xf32>
        %mul3A_457 = arith.mulf %gather3A_235, %sub3A_441 : vector<16xf32>
        %add3A_458 = arith.addf %mul3A_456, %mul3A_457 : vector<16xf32>
        %mul3A_459 = arith.mulf %gather3A_239, %sub3A_442 : vector<16xf32>
        %add3A_460 = arith.addf %add3A_458, %mul3A_459 : vector<16xf32>
        %neg3A_461 = arith.constant 0.000000e+00 : f32
        %neg3A_462 = vector.broadcast %neg3A_461 : f32 to vector<16xf32>
        %neg3A_463 = arith.subf %neg3A_462, %add3A_460 : vector<16xf32>
        %mul3A_464 = arith.mulf %add3A_246, %add3A_455 : vector<16xf32>
        %bitcast_convert_type3A_465 = tpu.bitcast %mul3A_464 : vector<16xf32> -> vector<16xi32>
        %shift_right_arithmetic3A_466 = arith.constant 1 : i32
        %shift_right_arithmetic3A_467 = vector.broadcast %shift_right_arithmetic3A_466 : i32 to vector<16xi32>
        %shift_right_arithmetic3A_468 = arith.shrsi %bitcast_convert_type3A_465, %shift_right_arithmetic3A_467 : vector<16xi32>
        %sub3A_469 = arith.constant 1597463007 : i32
        %sub3A_470 = vector.broadcast %sub3A_469 : i32 to vector<16xi32>
        %sub3A_471 = arith.subi %sub3A_470, %shift_right_arithmetic3A_468 : vector<16xi32>
        %bitcast_convert_type3A_472 = tpu.bitcast %sub3A_471 : vector<16xi32> -> vector<16xf32>
        %mul3A_473 = arith.constant 5.000000e-01 : f32
        %mul3A_474 = vector.broadcast %mul3A_473 : f32 to vector<16xf32>
        %mul3A_475 = arith.mulf %mul3A_474, %mul3A_464 : vector<16xf32>
        %mul3A_476 = arith.mulf %mul3A_475, %bitcast_convert_type3A_472 : vector<16xf32>
        %mul3A_477 = arith.mulf %mul3A_476, %bitcast_convert_type3A_472 : vector<16xf32>
        %sub3A_478 = arith.constant 1.500000e+00 : f32
        %sub3A_479 = vector.broadcast %sub3A_478 : f32 to vector<16xf32>
        %sub3A_480 = arith.subf %sub3A_479, %mul3A_477 : vector<16xf32>
        %mul3A_481 = arith.mulf %bitcast_convert_type3A_472, %sub3A_480 : vector<16xf32>
        %mul3A_482 = arith.constant 5.000000e-01 : f32
        %mul3A_483 = vector.broadcast %mul3A_482 : f32 to vector<16xf32>
        %mul3A_484 = arith.mulf %mul3A_483, %mul3A_464 : vector<16xf32>
        %mul3A_485 = arith.mulf %mul3A_484, %mul3A_481 : vector<16xf32>
        %mul3A_486 = arith.mulf %mul3A_485, %mul3A_481 : vector<16xf32>
        %sub3A_487 = arith.constant 1.500000e+00 : f32
        %sub3A_488 = vector.broadcast %sub3A_487 : f32 to vector<16xf32>
        %sub3A_489 = arith.subf %sub3A_488, %mul3A_486 : vector<16xf32>
        %mul3A_490 = arith.mulf %mul3A_481, %sub3A_489 : vector<16xf32>
        %mul3A_491 = arith.mulf %neg3A_463, %mul3A_490 : vector<16xf32>
        %mul3A_492 = arith.mulf %add3A_450, %gather3A_439 : vector<16xf32>
        %add3A_493 = arith.addf %add3A_432, %mul3A_492 : vector<16xf32>
        %mul3A_494 = arith.mulf %mul3A_491, %gather3A_439 : vector<16xf32>
        %add3A_495 = arith.addf %add3A_434, %mul3A_494 : vector<16xf32>
        %add3A_496 = arith.addi %mul3A_294, %broadcast_in_dim3A_316 : vector<16xi32>
        %gather3A_497 = tpu.vector_load_idx %arg17[%add3A_496] : memref<4096xf32, #tpu.memory_space<vmem>>[vector<16xi32>], vector<16xf32>,
        %gather3A_498 = tpu.vector_load_idx %arg18[%add3A_496] : memref<4096xf32, #tpu.memory_space<vmem>>[vector<16xi32>], vector<16xf32>,
        %gather3A_499 = tpu.vector_load_idx %arg19[%add3A_496] : memref<4096xf32, #tpu.memory_space<vmem>>[vector<16xi32>], vector<16xf32>,
        %gather3A_500 = tpu.vector_load_idx %arg20[%add3A_496] : memref<4096xf32, #tpu.memory_space<vmem>>[vector<16xi32>], vector<16xf32>,
        %sub3A_501 = arith.subf %gather3A_497, %gather3A_266 : vector<16xf32>
        %sub3A_502 = arith.subf %gather3A_498, %gather3A_270 : vector<16xf32>
        %sub3A_503 = arith.subf %gather3A_499, %gather3A_274 : vector<16xf32>
        %sub3A_504 = arith.subf %gather3A_275, %sub3A_501 : vector<16xf32>
        %abs3A_505 = math.absf %sub3A_504 : vector<16xf32>
        %sub3A_506 = arith.subf %gather3A_279, %sub3A_502 : vector<16xf32>
        %abs3A_507 = math.absf %sub3A_506 : vector<16xf32>
        %add3A_508 = arith.addf %abs3A_505, %abs3A_507 : vector<16xf32>
        %sub3A_509 = arith.subf %gather3A_283, %sub3A_503 : vector<16xf32>
        %abs3A_510 = math.absf %sub3A_509 : vector<16xf32>
        %add3A_511 = arith.addf %add3A_508, %abs3A_510 : vector<16xf32>
        %mul3A_512 = arith.mulf %sub3A_501, %sub3A_501 : vector<16xf32>
        %mul3A_513 = arith.mulf %sub3A_502, %sub3A_502 : vector<16xf32>
        %add3A_514 = arith.addf %mul3A_512, %mul3A_513 : vector<16xf32>
        %mul3A_515 = arith.mulf %sub3A_503, %sub3A_503 : vector<16xf32>
        %add3A_516 = arith.addf %add3A_514, %mul3A_515 : vector<16xf32>
        %mul3A_517 = arith.mulf %gather3A_275, %sub3A_501 : vector<16xf32>
        %mul3A_518 = arith.mulf %gather3A_279, %sub3A_502 : vector<16xf32>
        %add3A_519 = arith.addf %mul3A_517, %mul3A_518 : vector<16xf32>
        %mul3A_520 = arith.mulf %gather3A_283, %sub3A_503 : vector<16xf32>
        %add3A_521 = arith.addf %add3A_519, %mul3A_520 : vector<16xf32>
        %neg3A_522 = arith.constant 0.000000e+00 : f32
        %neg3A_523 = vector.broadcast %neg3A_522 : f32 to vector<16xf32>
        %neg3A_524 = arith.subf %neg3A_523, %add3A_521 : vector<16xf32>
        %mul3A_525 = arith.mulf %add3A_290, %add3A_516 : vector<16xf32>
        %bitcast_convert_type3A_526 = tpu.bitcast %mul3A_525 : vector<16xf32> -> vector<16xi32>
        %shift_right_arithmetic3A_527 = arith.constant 1 : i32
        %shift_right_arithmetic3A_528 = vector.broadcast %shift_right_arithmetic3A_527 : i32 to vector<16xi32>
        %shift_right_arithmetic3A_529 = arith.shrsi %bitcast_convert_type3A_526, %shift_right_arithmetic3A_528 : vector<16xi32>
        %sub3A_530 = arith.constant 1597463007 : i32
        %sub3A_531 = vector.broadcast %sub3A_530 : i32 to vector<16xi32>
        %sub3A_532 = arith.subi %sub3A_531, %shift_right_arithmetic3A_529 : vector<16xi32>
        %bitcast_convert_type3A_533 = tpu.bitcast %sub3A_532 : vector<16xi32> -> vector<16xf32>
        %mul3A_534 = arith.constant 5.000000e-01 : f32
        %mul3A_535 = vector.broadcast %mul3A_534 : f32 to vector<16xf32>
        %mul3A_536 = arith.mulf %mul3A_535, %mul3A_525 : vector<16xf32>
        %mul3A_537 = arith.mulf %mul3A_536, %bitcast_convert_type3A_533 : vector<16xf32>
        %mul3A_538 = arith.mulf %mul3A_537, %bitcast_convert_type3A_533 : vector<16xf32>
        %sub3A_539 = arith.constant 1.500000e+00 : f32
        %sub3A_540 = vector.broadcast %sub3A_539 : f32 to vector<16xf32>
        %sub3A_541 = arith.subf %sub3A_540, %mul3A_538 : vector<16xf32>
        %mul3A_542 = arith.mulf %bitcast_convert_type3A_533, %sub3A_541 : vector<16xf32>
        %mul3A_543 = arith.constant 5.000000e-01 : f32
        %mul3A_544 = vector.broadcast %mul3A_543 : f32 to vector<16xf32>
        %mul3A_545 = arith.mulf %mul3A_544, %mul3A_525 : vector<16xf32>
        %mul3A_546 = arith.mulf %mul3A_545, %mul3A_542 : vector<16xf32>
        %mul3A_547 = arith.mulf %mul3A_546, %mul3A_542 : vector<16xf32>
        %sub3A_548 = arith.constant 1.500000e+00 : f32
        %sub3A_549 = vector.broadcast %sub3A_548 : f32 to vector<16xf32>
        %sub3A_550 = arith.subf %sub3A_549, %mul3A_547 : vector<16xf32>
        %mul3A_551 = arith.mulf %mul3A_542, %sub3A_550 : vector<16xf32>
        %mul3A_552 = arith.mulf %neg3A_524, %mul3A_551 : vector<16xf32>
        %mul3A_553 = arith.mulf %add3A_511, %gather3A_500 : vector<16xf32>
        %add3A_554 = arith.addf %add3A_493, %mul3A_553 : vector<16xf32>
        %mul3A_555 = arith.mulf %mul3A_552, %gather3A_500 : vector<16xf32>
        %add3A_556 = arith.addf %add3A_495, %mul3A_555 : vector<16xf32>
        scf.yield %add3A_554, %add3A_556 : vector<16xf32>, vector<16xf32>
      }
      scf.yield %while3A_312#0, %while3A_312#1 : vector<16xf32>, vector<16xf32>
    }
    %scan3A_112 = arith.constant 16 : i32
    %swap3A_113 = arith.constant 0 : index
    %swap3A_114 = tpu.vector_load %arg21[%swap3A_113] {strides = array<i32>} : memref<16xf32, #tpu.memory_space<vmem>>, vector<16xf32>,
    tpu.vector_store %arg21[%swap3A_113], %scan3A_111#0 {strides = array<i32>} : memref<16xf32, #tpu.memory_space<vmem>>, vector<16xf32>,
    %swap3A_115 = arith.constant 0 : index
    %swap3A_116 = tpu.vector_load %arg22[%swap3A_115] {strides = array<i32>} : memref<16xf32, #tpu.memory_space<vmem>>, vector<16xf32>,
    tpu.vector_store %arg22[%swap3A_115], %scan3A_111#1 {strides = array<i32>} : memref<16xf32, #tpu.memory_space<vmem>>, vector<16xf32>,
    %mul3A_117 = arith.constant 16 : i32
    %mul3A_118 = arith.muli %add3A, %mul3A_117 : i32
    "tpu.region"() ({
      %run_scoped3A = tpu.sem_alloc : memref<!tpu.dma_semaphore, #tpu.memory_space<semaphore_mem>>
      %dma_start3A_121 = tpu.memref_slice %arg8[%mul3A_118] : memref<512xf32, #tpu.memory_space<hbm>> -> memref<16xf32, #tpu.memory_space<hbm>>
      %dma_start3A_122 = tpu.memref_slice %arg8[%mul3A_118] : memref<512xf32, #tpu.memory_space<hbm>> -> memref<16xf32, #tpu.memory_space<hbm>>
      tpu.enqueue_dma source(%arg21 : memref<16xf32, #tpu.memory_space<vmem>>) target(%dma_start3A_122 : memref<16xf32, #tpu.memory_space<hbm>>) target_semaphore(%run_scoped3A : memref<!tpu.dma_semaphore, #tpu.memory_space<semaphore_mem>>)
      %dma_wait3A_123 = tpu.memref_slice %arg8[%mul3A_118] : memref<512xf32, #tpu.memory_space<hbm>> -> memref<16xf32, #tpu.memory_space<hbm>>
      %dma_wait3A_124 = tpu.memref_slice %arg8[%mul3A_118] : memref<512xf32, #tpu.memory_space<hbm>> -> memref<16xf32, #tpu.memory_space<hbm>>
      tpu.wait_dma2 semaphore(%run_scoped3A : memref<!tpu.dma_semaphore, #tpu.memory_space<semaphore_mem>>) src(%arg21 : memref<16xf32, #tpu.memory_space<vmem>>) dst(%dma_wait3A_124 : memref<16xf32, #tpu.memory_space<hbm>>)
      tpu.yield
    }) : () -> ()
    %mul3A_119 = arith.constant 16 : i32
    %mul3A_120 = arith.muli %add3A, %mul3A_119 : i32
    "tpu.region"() ({
      %run_scoped3A = tpu.sem_alloc : memref<!tpu.dma_semaphore, #tpu.memory_space<semaphore_mem>>
      %dma_start3A_121 = tpu.memref_slice %arg9[%mul3A_120] : memref<512xf32, #tpu.memory_space<hbm>> -> memref<16xf32, #tpu.memory_space<hbm>>
      %dma_start3A_122 = tpu.memref_slice %arg9[%mul3A_120] : memref<512xf32, #tpu.memory_space<hbm>> -> memref<16xf32, #tpu.memory_space<hbm>>
      tpu.enqueue_dma source(%arg22 : memref<16xf32, #tpu.memory_space<vmem>>) target(%dma_start3A_122 : memref<16xf32, #tpu.memory_space<hbm>>) target_semaphore(%run_scoped3A : memref<!tpu.dma_semaphore, #tpu.memory_space<semaphore_mem>>)
      %dma_wait3A_123 = tpu.memref_slice %arg9[%mul3A_120] : memref<512xf32, #tpu.memory_space<hbm>> -> memref<16xf32, #tpu.memory_space<hbm>>
      %dma_wait3A_124 = tpu.memref_slice %arg9[%mul3A_120] : memref<512xf32, #tpu.memory_space<hbm>> -> memref<16xf32, #tpu.memory_space<hbm>>
      tpu.wait_dma2 semaphore(%run_scoped3A : memref<!tpu.dma_semaphore, #tpu.memory_space<semaphore_mem>>) src(%arg22 : memref<16xf32, #tpu.memory_space<vmem>>) dst(%dma_wait3A_124 : memref<16xf32, #tpu.memory_space<hbm>>)
      tpu.yield
    }) : () -> ()
    return
  }
}

module attributes {stable_mosaic.version = 14 : i64} {
  func.func @_combine_body(%arg0: memref<512xf32, #tpu.memory_space<vmem>>, %arg1: memref<512xf32, #tpu.memory_space<vmem>>, %arg2: memref<1x1xf32, #tpu.memory_space<vmem>>, %arg3: memref<1x1xf32, #tpu.memory_space<vmem>>, %arg4: memref<1x1xf32, #tpu.memory_space<vmem>>) attributes {dimension_semantics = [], scalar_prefetch = 0 : i64, scratch_operands = 0 : i64, tpu.core_type = #tpu.core_type<tc>} {
    %get3A = arith.constant 0 : index
    %get3A_0 = vector.load %arg0[%get3A] : memref<512xf32, #tpu.memory_space<vmem>>, vector<512xf32>
    %reduce_sum3A = vector.shape_cast %get3A_0 : vector<512xf32> to vector<1x512xf32>
    %reduce_sum3A_1 = arith.constant dense<0.000000e+00> : vector<1xf32>
    %reduce_sum3A_2 = vector.multi_reduction <add>, %reduce_sum3A, %reduce_sum3A_1 [1] : vector<1x512xf32> to vector<1xf32>
    %reduce_sum3A_3 = vector.shape_cast %reduce_sum3A_2 : vector<1xf32> to vector<1x1xf32>
    %reduce_sum3A_4 = vector.extract %reduce_sum3A_3[0, 0] : f32 from vector<1x1xf32>
    %mul3A = arith.constant 1.000000e+00 : f32
    %mul3A_5 = arith.constant 3.05175781E-5 : f32
    %mul3A_6 = arith.mulf %mul3A, %mul3A_5 : f32
    %mul3A_7 = arith.mulf %reduce_sum3A_4, %mul3A_6 : f32
    %get3A_8 = arith.constant 0 : index
    %get3A_9 = vector.load %arg1[%get3A_8] : memref<512xf32, #tpu.memory_space<vmem>>, vector<512xf32>
    %reduce_sum3A_10 = vector.shape_cast %get3A_9 : vector<512xf32> to vector<1x512xf32>
    %reduce_sum3A_11 = arith.constant dense<0.000000e+00> : vector<1xf32>
    %reduce_sum3A_12 = vector.multi_reduction <add>, %reduce_sum3A_10, %reduce_sum3A_11 [1] : vector<1x512xf32> to vector<1xf32>
    %reduce_sum3A_13 = vector.shape_cast %reduce_sum3A_12 : vector<1xf32> to vector<1x1xf32>
    %reduce_sum3A_14 = vector.extract %reduce_sum3A_13[0, 0] : f32 from vector<1x1xf32>
    %mul3A_15 = arith.constant 1.000000e+00 : f32
    %mul3A_16 = arith.constant 3.05175781E-5 : f32
    %mul3A_17 = arith.mulf %mul3A_15, %mul3A_16 : f32
    %mul3A_18 = arith.mulf %reduce_sum3A_14, %mul3A_17 : f32
    %add3A = arith.addf %mul3A_7, %mul3A_18 : f32
    %broadcast_in_dim3A = vector.broadcast %add3A : f32 to vector<1x1xf32>
    %swap3A = arith.constant 0 : index
    %swap3A_19 = arith.constant 0 : index
    %swap3A_20 = vector.load %arg2[%swap3A, %swap3A_19] : memref<1x1xf32, #tpu.memory_space<vmem>>, vector<1x1xf32>
    tpu.vector_store %arg2[%swap3A, %swap3A_19], %broadcast_in_dim3A {strides = array<i32>} : memref<1x1xf32, #tpu.memory_space<vmem>>, vector<1x1xf32>,
    %broadcast_in_dim3A_21 = vector.broadcast %mul3A_7 : f32 to vector<1x1xf32>
    %swap3A_22 = arith.constant 0 : index
    %swap3A_23 = arith.constant 0 : index
    %swap3A_24 = vector.load %arg3[%swap3A_22, %swap3A_23] : memref<1x1xf32, #tpu.memory_space<vmem>>, vector<1x1xf32>
    tpu.vector_store %arg3[%swap3A_22, %swap3A_23], %broadcast_in_dim3A_21 {strides = array<i32>} : memref<1x1xf32, #tpu.memory_space<vmem>>, vector<1x1xf32>,
    %broadcast_in_dim3A_25 = vector.broadcast %mul3A_18 : f32 to vector<1x1xf32>
    %swap3A_26 = arith.constant 0 : index
    %swap3A_27 = arith.constant 0 : index
    %swap3A_28 = vector.load %arg4[%swap3A_26, %swap3A_27] : memref<1x1xf32, #tpu.memory_space<vmem>>, vector<1x1xf32>
    tpu.vector_store %arg4[%swap3A_26, %swap3A_27], %broadcast_in_dim3A_25 {strides = array<i32>} : memref<1x1xf32, #tpu.memory_space<vmem>>, vector<1x1xf32>,
    return
  }
}

</mosaic_0001>

<sc_bundles>
// kernel: kernel.4.cloned.1.call-start
scs
__scs_entry_jumppad:
0x0: {  	(pc) =	sbr.rel $0x88, $3  }
0x1: {  	(tag) =	ssettag $0x0;
	lr =	simm.s32 $0x1  }
0x2: {  	[smem:$0x3F9B] =	sst lr;
	_ =	strace $0xD0000000  }
0x3: {  	_ = 	snop  }
0x4: {  	_ = 	snop  }
0x5: {  	_ = 	snop  }
0x6: {  	_ = 	snop  }
0x7: {  	_ = 	snop  }
__scs_overlays_trampoline_lowered:
0x8: {  	[smem:$0x3FAA] =	sst s0  }
0x9: {  	[smem:$0x3FAB] =	sst s1  }
0xa: {  	[smem:$0x3FAC] =	sst s2  }
0xb: {  	[smem:$0x3FAD] =	sst s3  }
0xc: {  	[smem:$0x3FAE] =	sst s4  }
0xd: {  	[smem:$0x3FAF] =	sst s5  }
0xe: {  	[smem:$0x3FB0] =	sst s6  }
0xf: {  	[smem:$0x3FB1] =	sst s7  }
0x10: {  	[smem:$0x3FB2] =	sst s8  }
0x11: {  	[smem:$0x3FB3] =	sst s9;
	s0 =	simm.s32 @!p0 $0x0  }
0x12: {  	s1 =	sld [smem:$0x3F99];
	s0 =	simm.s32 @p0 $0x1  }
0x13: {  	[smem:$0x3FB4] =	sst s0;
	s0 =	simm.s32 @!p1 $0x0  }
0x14: {  	s2 =	sld [smem:$0x3F98];
	s0 =	simm.s32 @p1 $0x1  }
0x15: {  	[smem:$0x3FB5] =	sst s0;
	s0 =	simm.s32 @!p2 $0x0  }
0x16: {  	s3 =	sld [smem:$0x3FDB];
	s0 =	simm.s32 @p2 $0x1  }
0x17: {  	s4 =	simm.s32 $0x1BF5;
	[smem:$0x3FB7] =	sst s0  }
0x18: {  	s0 =	sld [smem:$0x3F9A];
	_ =	swait.ge [sflag:s4], $0x0  }
0x19: {  	s7 =	sld [smem:$0x3F9B]  }
0x1a: {  	s8 =	sadd.s32 $0xFFFFE003, lr  }
0x1b: {  	s9 =	sadd.s32 $0xFFFFFEF7, lr;
	s5 =	simm.s32 $0xFFFFFFFF;
	p2 =	slt.u32 s8, $0xFFFFF086  }
0x1c: {  	p1 =	slt.u32 s9, $0xF7A;
	s5 =	simm.s32 @!p2 $0x0  }
0x1d: {  	s5 =	simm.s32 @p1 $0x1;
	p0 =	seq.s32 s7, s2  }
0x1e: {  	s7 =	smul.u32 @!p0 $0xF7A, s2;
	p2 =	seq.s32 @!p0 s5, $0x0  }
0x1f: {  	s9 =	smul.u32 $0xF7A, s1;
	s8 =	simm.s32 @!p0 $0x1BF5;
	p2 =	por !p2, p0  }
0x20: {  	[sflag:s8] =	ssyncset.s32 @!p0 $0xFFFFF086;
	s6 =	sadd.s32 @!p0 s3, s7;
	s7 =	simm.s32 @!p0 $0x108  }
0x21: {  	s3 =	sadd.s32 s3, s9;
	s6 =	sadd.s32 @!p0 $0x88, s6;
	s7 =	simm.s32 @p2 $0x1082  }
0x22: {  	[simem:s7], [sflag:s8] =	dma.local @!p0 [hbm:s6], $0xF7A  }
0x23: {  	s9 =	sor.u32 $0xD0000000, s2;
	s6 =	simm.s32 $0x108;
	_ =	swait.ge @!p0 [sflag:s8], $0x0  }
0x24: {  	s3 =	sadd.s32 $0x88, s3;
	s6 =	simm.s32 @!p1 $0x1082;
	[sflag:s4] =	ssyncset.s32 $0xFFFFF086  }
0x25: {  	[simem:s6], [sflag:s4] =	dma.local [hbm:s3], $0xF7A  }
0x26: {  	[smem:$0x3F9B] =	sst s1;
	(tag) =	ssettag s2;
	_ =	strace s9  }
0x27: {  	s1 =	sld [smem:$0x3FAB]  }
0x28: {  	s2 =	sld [smem:$0x3FAC]  }
0x29: {  	s4 =	sld [smem:$0x3FAE]  }
0x2a: {  	p0 =	seq.s32 s5, $0x0;
	s5 =	sld [smem:$0x3FAF]  }
0x2b: {  	s6 =	sld [smem:$0x3FB0]  }
0x2c: {  	s7 =	sld [smem:$0x3FB1]  }
0x2d: {  	s3 =	simm.s32 $0x108;
	s8 =	sld [smem:$0x3FB2]  }
0x2e: {  	s3 =	simm.s32 @!p0 $0x1082;
	s9 =	sld [smem:$0x3FB3]  }
0x2f: {  	lr =	sadd.s32 s0, s3;
	s0 =	sld [smem:$0x3FAA]  }
0x30: {  	s3 =	sld [smem:$0x3FAD]  }
0x31: {  	[smem:$0x3FB6] =	sst s10  }
0x32: {  	s10 =	sld [smem:$0x3FB4];
	_ =	sdelay $0x3  }
0x33: {  	p0 =	seq.s32 s10, $0x1;
	s10 =	sld [smem:$0x3FB6];
	_ =	sdelay $0x3  }
0x34: {  	[smem:$0x3FB6] =	sst s10  }
0x35: {  	s10 =	sld [smem:$0x3FB5];
	_ =	sdelay $0x3  }
0x36: {  	p1 =	seq.s32 s10, $0x1;
	s10 =	sld [smem:$0x3FB6];
	_ =	sdelay $0x3  }
0x37: {  	[smem:$0x3FB6] =	sst s10  }
0x38: {  	s10 =	sld [smem:$0x3FB7]  }
0x39: {  	_ = 	snop;
	(pc) =	sbr.ind lr, $3  }
0x3a: {  	_ = 	snop  }
0x3b: {  	_ = 	snop  }
0x3c: {  	p2 =	seq.s32 s10, $0x1;
	s10 =	sld [smem:$0x3FB6]  }
0x3d: {  	_ =	shalt  }
0x3e: {  	_ =	shalt  }
0x3f: {  	_ =	shalt  }
0x40: {  	_ =	shalt  }
0x41: {  	_ =	shalt  }
0x42: {  	_ =	shalt  }
0x43: {  	_ =	shalt  }
0x44: {  	_ =	shalt  }
0x45: {  	_ =	shalt  }
0x46: {  	_ =	shalt  }
0x47: {  	_ =	shalt  }
0x48: {  	_ =	shalt  }
0x49: {  	_ =	shalt  }
0x4a: {  	_ =	shalt  }
0x4b: {  	_ =	shalt  }
0x4c: {  	_ =	shalt  }
0x4d: {  	_ =	shalt  }
0x4e: {  	_ =	shalt  }
0x4f: {  	_ =	shalt  }
0x50: {  	_ =	shalt  }
0x51: {  	_ =	shalt  }
0x52: {  	_ =	shalt  }
0x53: {  	_ =	shalt  }
0x54: {  	_ =	shalt  }
0x55: {  	_ =	shalt  }
0x56: {  	_ =	shalt  }
0x57: {  	_ =	shalt  }
0x58: {  	_ =	shalt  }
0x59: {  	_ =	shalt  }
0x5a: {  	_ =	shalt  }
0x5b: {  	_ =	shalt  }
0x5c: {  	_ =	shalt  }
0x5d: {  	_ =	shalt  }
0x5e: {  	_ =	shalt  }
0x5f: {  	_ =	shalt  }
0x60: {  	_ =	shalt  }
0x61: {  	_ =	shalt  }
0x62: {  	_ =	shalt  }
0x63: {  	_ =	shalt  }
0x64: {  	_ =	shalt  }
0x65: {  	_ =	shalt  }
0x66: {  	_ =	shalt  }
0x67: {  	_ =	shalt  }
0x68: {  	_ =	shalt  }
0x69: {  	_ =	shalt  }
0x6a: {  	_ =	shalt  }
0x6b: {  	_ =	shalt  }
0x6c: {  	_ =	shalt  }
0x6d: {  	_ =	shalt  }
0x6e: {  	_ =	shalt  }
0x6f: {  	_ =	shalt  }
0x70: {  	_ =	shalt  }
0x71: {  	_ =	shalt  }
0x72: {  	_ =	shalt  }
0x73: {  	_ =	shalt  }
0x74: {  	_ =	shalt  }
0x75: {  	_ =	shalt  }
0x76: {  	_ =	shalt  }
0x77: {  	_ =	shalt  }
0x78: {  	_ =	shalt  }
0x79: {  	_ =	shalt  }
0x7a: {  	_ =	shalt  }
0x7b: {  	_ =	shalt  }
0x7c: {  	_ =	shalt  }
0x7d: {  	_ =	shalt  }
0x7e: {  	_ =	shalt  }
0x7f: {  	_ =	shalt  }
0x80: {  	_ =	shalt  }
0x81: {  	_ =	shalt  }
0x82: {  	_ =	shalt  }
0x83: {  	_ =	shalt  }
0x84: {  	_ =	shalt  }
0x85: {  	_ =	shalt  }
0x86: {  	_ =	shalt  }
0x87: {  	_ =	shalt  }
.Lfunc_end0:
.L_simem_size_0:
called_computation_lowered:
.L_overlay_start_0:
0x88: {  	s2 =	sld [smem:$0x3FD9]  }
0x89: {  	s3 =	sld [smem:$0x3FFE];
	_ =	sdelay $0x1  }
0x8a: {  	s1 =	srdreg.scid  }
0x8b: {  	s0 =	sand.u32 $0x1, s1  }
0x8c: {  	s16 =	sshll.u32 s0, $0xA;
	s2 =	sadd.s32 s3, s2  }
0x8d: {  	s2 =	sadd.s32 s2, s16  }
0x8e: {  	[smem:$0x3FC2] =	sst s2  }
0x8f: {  	_ = 	snop  }
0x90: {  	(tm) =	ssettm $0x1  }
0x91: {  	s17 =	sld [smem:$0x3FFB];
	_ =	sdelay $0x3  }
0x92: {  	_ =	strace s17  }
0x93: {  	s2 =	sld [smem:$0x3FFC];
	_ =	sdelay $0x3  }
0x94: {  	_ =	strace s2  }
0x95: {  	s2 =	sld [smem:$0x3FFD];
	_ =	sdelay $0x3  }
0x96: {  	_ =	strace s2  }
0x97: {  	_ =	strace $0x8FFFFFFF  }
0x98: {  	s18 =	sld [smem:$0x3FDB];
	_ =	sdelay $0x1  }
0x99: {  	s19 =	simm.s32 $_scs_section_size  }
0x9a: {  	s4 =	simm.s32 $_size__tile_overlayer_lowered;
	s5 =	simm.s32 $_tile_overlayer_lowered  }
0x9b: {  	s22 =	simm.s32 $0x1BFF;
	s21 =	sshll.u32 s5, $0x1;
	s2 =	sadd.s32 s19, s18  }
0x9c: {  	s6 =	simm.s32 $0x0;
	s20 =	sshll.u32 s4, $0x1;
	s4 =	sadd.s32 s21, s2  }
0x9d: {  	[timem:s6], [sflag:s22] =	dma.local [hbm:s4], s20  }
0x9e: {  	_ =	swait.ge [sflag:s22], s20  }
0x9f: {  	s3 =	ssub.s32 $0x0, s20;
	[sflag:s22] =	ssyncset.done $0x0  }
0xa0: {  	[sflag:s22] =	ssyncadd.s32 s3;
	_ =	sdelay $0x1  }
0xa1: {  	s23 =	simm.s32 $0x1B8B  }
0xa2: {  	_ =	swait.ge [sflag:s23], $0x1  }
0xa3: {  	[sflag:s23] =	ssyncset.done $0x0  }
0xa4: {  	s25 =	simm.s32 $0x1B8E;
	s24 =	sld [smem:$0x3FFE];
	[sflag:s23] =	ssyncadd.s32 $0xFFFFFFFF  }
0xa5: {  	s26 =	simm.s32 $execute0_lowered;
	[smem:$0x3FD2] =	sst s25  }
0xa6: {  	s4 =	sshll.u32 s26, $0x1;
	_ =	strace $0x80000046;
	[dreg:$0x1] =	wrdreg $0xFFFFFFFF  }
0xa7: {  	s28 =	simm.s32 $_size_execute0_lowered;
	s2 =	sadd.s32 s2, s4;
	[dreg:$0x0] =	wrdreg $0x0  }
0xa8: {  	s4 =	sshll.u32 s28, $0x1;
	[dreg:$0x2] =	wrdreg s2  }
0xa9: {  	[dreg:$0x3] =	wrdreg s4  }
0xaa: {  	[dreg:$0x4] =	wrdreg $0xC0  }
0xab: {  	_ =	task [dreg:s6], $0x5FFFF  }
0xac: {  	[dreg:$0x1] =	wrdreg $0xFFFFFFFF  }
0xad: {  	[dreg:$0x0] =	wrdreg $0x60  }
0xae: {  	[dreg:$0x2] =	wrdreg s24  }
0xaf: {  	[dreg:$0x3] =	wrdreg $0x9  }
0xb0: {  	_ =	task.clear_ibuf [dreg:s6], $0x4FFFF;
	_ =	strace $0x90000046  }
0xb1: {  	s29 =	simm.s32 $0x9;
	_ =	strace $0x80000048  }
0xb2: {  	_ =	swait.ge [sflag:s29], $0x1  }
0xb3: {  	[sflag:s29] =	ssyncadd.s32 $0xFFFFFFFF  }
0xb4: {  	_ =	strace $0x90000048  }
0xb5: {  	_ =	sfence  }
0xb6: {  	s30 =	sld [smem:$0x0];
	_ =	sdelay $0x2  }
0xb7: {  	s31 =	sshll.u32 s1, $0xD;
	s1 =	sshrl.u32 s1, $0x2  }
0xb8: {  	s3 =	sand.u32 $0x4000, s31;
	s1 =	sadd.s32 s1, s30  }
0xb9: {  	s0 =	sor.u32 s3, s0;
	s1 =	sshll.u32 s1, $0x11  }
0xba: {  	s0 =	sor.u32 s1, s0  }
0xbb: {  	s0 =	sadd.s32 $0x8F2B, s0  }
0xbc: {  	[sflag:s0] =	ssyncadd.remote.s32 $0x1  }
0xbd: {  	_ =	sfence.sel $0xFFFF  }
0xbe: {  	[dreg:$0x0] =	wrdreg $0xFFFFFFFF;
	(pc) =	sbr.abs _section_cstart, $3  }
0xbf: {  	[dreg:$0x1] =	wrdreg $0xFFFFFFFF  }
0xc0: {  	_ =	task.clear_ibuf [dreg:s6], $0x2FFFF;
	_ =	strace $0x9FFFFFFF  }
0xc1: {  	(tm) =	ssettm $0x7FFFFFFF  }
tec
execute0_lowered:
.L_overlay_start_1:
0x0: {  	(tag) =	ssettag $0x1  }
0x1: {  	s1 =	srdreg.scid;
	s0 =	stileid.u32  }
0x2: {  	s7 =	rddreg [dreg:$0x0];
	s14 =	simm.s32 $0x1C00;
	s15 =	simm.s32 $0x1D00  }
0x3: {  	s16 =	simm.s32 $0x1D80;
	s17 =	simm.s32 $0x1;
	s18 =	simm.s32 $0x1E00  }
0x4: {  	s19 =	simm.s32 $0x1E80;
	s20 =	simm.s32 $0x2E80;
	s21 =	simm.s32 $0x3E80  }
0x5: {  	s22 =	simm.s32 $0x4E80;
	s23 =	simm.s32 $0x5E80;
	s24 =	simm.s32 $0x2  }
0x6: {  	s25 =	simm.s32 $0x5F00;
	s3 =	sand.u32 $0x1, s1;
	s31 =	sshll.u32 s0, $0x1  }
0x7: {  	s26 =	simm.s32 $0x0;
	s5 =	sshrl.u32 s0, $0x1;
	s4 =	sor.u32 s3, s31  }
0x8: {  	s2 =	sshll.u32 s5, $0xC;
	s9 =	smul.u32 $0x18, s5;
	s3 =	ssub.s32 $0x2, s3  }
0x9: {  	s5 =	sshll.u32 s5, $0x3;
	s1 =	sshll.u32 s4, $0xA;
	s4 =	sshll.u32 s4, $0x1  }
0xa: {  	s10 =	sshrl.u32 s3, $0x1;
	s11 =	sadd.s32 s5, s7;
	s1 =	sand.u32 $0xC00, s1  }
0xb: {  	s9 =	sadd.s32 s9, s7;
	s12 =	sadd.s32 s4, s7;
	s13 =	ssub.s32 s3, s10  }
0xc: {  	v0 =	vlaneseq.u32;
	s6 =	sor.u32 s2, s1;
	s2 =	simm.s32 $0x0;
	s10 =	sadd.s32 $0x9000, s12  }
0xd: {  	v0 =	vmul.u32 $0x3, v0;
	s8 =	smul.u32 $0x3, s6;
	[smem:$0x7FF] =	sst s2;
	s6 =	sshrl.u32 s6, $0x3  }
.Ltmp0:
0xe: {  	_ =	strace $0x80000047;
	s6 =	sadd.s32 s6, s7;
	(pc) =	sbr.rel .LBB2_1-.Ltmp0, $4  }
0xf: {  	v2 =	vadd.s32 $0x1, v0;
	s8 =	sshrl.u32 s8, $0x3;
	s5 =	sadd.s32 $0x7A00, s6;
	s6 =	sadd.s32 $0x7800, s9  }
0x10: {  	[tilespmem:$0x1FFD0] =	vst v2;
	s9 =	sadd.s32 $0x8E00, s12;
	s12 =	simm.s32 $0xC00;
	s8 =	sadd.s32 s8, s7  }
0x11: {  	[tilespmem:$0x1FFE0] =	vst v0;
	v0 =	vadd.s32 $0x2, v0;
	s7 =	sadd.s32 $0x8A00, s11;
	s3 =	sadd.s32 $0x1800, s8;
	s4 =	sadd.s32 $0x4800, s8  }
0x12: {  	v1 =	vimm.f32 $0.0e+00;
	[tilespmem:$0x1FFF0] =	vst v0;
	s8 =	sadd.s32 $0x8C00, s11;
	s11 =	smax.u32 s13, $0x1;
	s13 =	simm.s32 $0x1800  }
.LBB2_11:
0x13: {  	[tilespmem:$0x5E80] =	vst v10  }
0x14: {  	[tilespmem:$0x5F00] =	vst v5  }
0x15: {  	[hbm4b:s9+s2] =	stream.linear.scatter [tilespmem:s23], [sflag:$0x2], $0x10, $0x38;
	[tilespmem:$0x5F80] =	vst v63  }
0x16: {  	s26 =	sadd.s32 $0x1, s26;
	_ =	swait.ge [sflag:s24], $0x10  }
0x17: {  	p0 =	sne.s32 s26, s11;
	[sflag:s24] =	ssyncset.done $0x0  }
.Ltmp1:
0x18: {  	[sflag:s24] =	ssyncadd.s32 $0xFFFFFFF0;
	(pc) =	sbr.rel @!p0 .LBB2_12-.Ltmp1, $4  }
0x19: {  	[hbm4b:s10+s2] =	stream.linear.scatter [tilespmem:s25], [sflag:$0x2], $0x10, $0x38;
	[tilespmem:$0x5F80] =	vst v63  }
0x1a: {  	_ =	swait.ge [sflag:s24], $0x10  }
0x1b: {  	[sflag:s24] =	ssyncset.done $0x0  }
0x1c: {  	v1 =	vimm.f32 $0.0e+00;
	[sflag:s24] =	ssyncadd.s32 $0xFFFFFFF0  }
.LBB2_1:
0x1d: {  	[tilespmem:s2], [sflag:$0x1] =	stream.linear.gather [hbm4b:s3+s2], $0xC00, $0x38;
	[tilespmem:$0x5F80] =	vst v63  }
0x1e: {  	_ = 	snop  }
0x1f: {  	[tilespmem:s12], [sflag:$0x1] =	stream.linear.gather [hbm4b:s4+s2], $0xC00, $0x38;
	[tilespmem:$0x5F80] =	vst v63  }
0x20: {  	_ = 	snop  }
0x21: {  	[tilespmem:s13], [sflag:$0x1] =	stream.linear.gather [hbm4b:s5+s2], $0x400, $0x38;
	[tilespmem:$0x5F80] =	vst v63  }
0x22: {  	_ = 	snop  }
0x23: {  	[tilespmem:s14], [sflag:$0x1] =	stream.linear.gather [hbm4b:s6+s2], $0xC0, $0x38;
	[tilespmem:$0x5F80] =	vst v63  }
0x24: {  	_ = 	snop  }
0x25: {  	[tilespmem:s15], [sflag:$0x1] =	stream.linear.gather [hbm4b:s7+s2], $0x40, $0x38;
	[tilespmem:$0x5F80] =	vst v63  }
0x26: {  	s28 =	simm.s32 $0x0;
	s29 =	simm.s32 $0x100  }
0x27: {  	[tilespmem:s16], [sflag:$0x1] =	stream.linear.gather [hbm4b:s8+s2], $0x40, $0x38;
	[tilespmem:$0x5F80] =	vst v63  }
.LBB2_2:
0x28: {  	p0 =	sne.s32 s29, $0x3F00;
	[tilespmem:s28+$0x4EB0] =	vst v1  }
0x29: {  	[tilespmem:s28+$0x1E80] =	vst v1  }
0x2a: {  	[tilespmem:s28+$0x2E80] =	vst v1  }
0x2b: {  	[tilespmem:s28+$0x3E80] =	vst v1  }
0x2c: {  	[tilespmem:s28+$0x4E80] =	vst v1  }
0x2d: {  	[tilespmem:s28+$0x1E90] =	vst v1  }
0x2e: {  	[tilespmem:s28+$0x2E90] =	vst v1  }
0x2f: {  	[tilespmem:s28+$0x3E90] =	vst v1  }
0x30: {  	[tilespmem:s28+$0x4E90] =	vst v1  }
0x31: {  	[tilespmem:s28+$0x1EA0] =	vst v1  }
0x32: {  	[tilespmem:s28+$0x2EA0] =	vst v1  }
.Ltmp2:
0x33: {  	[tilespmem:s28+$0x3EA0] =	vst v1;
	(pc) =	sbr.rel @p0 .LBB2_2-.Ltmp2, $4  }
0x34: {  	[tilespmem:s28+$0x4EA0] =	vst v1  }
0x35: {  	[tilespmem:s28+$0x1EB0] =	vst v1  }
0x36: {  	[tilespmem:s28+$0x2EB0] =	vst v1  }
0x37: {  	[tilespmem:s28+$0x3EB0] =	vst v1;
	s28 =	sshra.s32 s29, $0x2;
	s29 =	sadd.s32 $0x100, s29  }
0x38: {  	[tilespmem:s28+$0x4EB0] =	vst v1  }
0x39: {  	[tilespmem:s28+$0x1E80] =	vst v1  }
0x3a: {  	[tilespmem:s28+$0x2E80] =	vst v1  }
0x3b: {  	[tilespmem:s28+$0x3E80] =	vst v1  }
0x3c: {  	[tilespmem:s28+$0x4E80] =	vst v1  }
0x3d: {  	[tilespmem:s28+$0x1E90] =	vst v1  }
0x3e: {  	[tilespmem:s28+$0x2E90] =	vst v1  }
0x3f: {  	[tilespmem:s28+$0x3E90] =	vst v1  }
0x40: {  	[tilespmem:s28+$0x4E90] =	vst v1  }
0x41: {  	[tilespmem:s28+$0x1EA0] =	vst v1  }
0x42: {  	[tilespmem:s28+$0x2EA0] =	vst v1  }
0x43: {  	[tilespmem:s28+$0x3EA0] =	vst v1  }
0x44: {  	[tilespmem:s28+$0x4EA0] =	vst v1  }
0x45: {  	[tilespmem:s28+$0x1EB0] =	vst v1  }
0x46: {  	[tilespmem:s28+$0x2EB0] =	vst v1  }
0x47: {  	[tilespmem:s28+$0x3EB0] =	vst v1;
	v0 =	vimm.s32 $0x0  }
0x48: {  	[tilespmem:$0x1E00] =	vst v0  }
0x49: {  	[tilespmem:$0x1E10] =	vst v0  }
0x4a: {  	[tilespmem:$0x1E20] =	vst v0  }
0x4b: {  	[tilespmem:$0x1E30] =	vst v0  }
0x4c: {  	_ =	swait.ge [sflag:s17], $0xC00  }
0x4d: {  	[sflag:s17] =	ssyncset.done $0x0  }
0x4e: {  	[sflag:s17] =	ssyncadd.s32 $0xFFFFF400  }
0x4f: {  	_ =	swait.ge [sflag:s17], $0xC00  }
0x50: {  	[sflag:s17] =	ssyncset.done $0x0  }
0x51: {  	[sflag:s17] =	ssyncadd.s32 $0xFFFFF400  }
0x52: {  	_ =	swait.ge [sflag:s17], $0x400  }
0x53: {  	[sflag:s17] =	ssyncset.done $0x0  }
0x54: {  	[sflag:s17] =	ssyncadd.s32 $0xFFFFFC00  }
0x55: {  	_ =	swait.ge [sflag:s17], $0xC0  }
0x56: {  	[sflag:s17] =	ssyncset.done $0x0  }
0x57: {  	[sflag:s17] =	ssyncadd.s32 $0xFFFFFF40  }
0x58: {  	_ =	swait.ge [sflag:s17], $0x40  }
0x59: {  	[sflag:s17] =	ssyncset.done $0x0  }
0x5a: {  	[sflag:s17] =	ssyncadd.s32 $0xFFFFFFC0  }
0x5b: {  	_ =	swait.ge [sflag:s17], $0x40  }
0x5c: {  	s28 =	simm.s32 $0x0;
	[sflag:s17] =	ssyncset.done $0x0  }
0x5d: {  	s29 =	simm.s32 $0x0;
	s30 =	simm.s32 $0x0;
	[sflag:s17] =	ssyncadd.s32 $0xFFFFFFC0  }
.LBB2_4:
0x5e: {  	v0 =	vmov s30;
	_ =	sdelay $0x4  }
0x5f: {  	v2 =	vld.idx.msk [tilespmem:v0+s15+$0x0], $0xffff;
	_ =	sdelay $0x7  }
0x60: {  	v6 =	vmov s29;
	v5 =	vld.idx.msk [tilespmem:v2+s18+$0x0], $0xffff  }
0x61: {  	v7 =	vadd.s32 $0x1, v6  }
0x62: {  	v8 =	vadd.s32 $0x2, v6;
	_ =	sdelay $0x1  }
0x63: {  	v9 =	vshll.u32 v2, $0x6  }
0x64: {  	v6 =	vld.idx.msk [tilespmem:v6+s14+$0x0], $0xffff;
	v9 =	vadd.s32 v5, v9  }
0x65: {  	v7 =	vld.idx.msk [tilespmem:v7+s14+$0x0], $0xffff  }
0x66: {  	v8 =	vld.idx.msk [tilespmem:v8+s14+$0x0], $0xffff  }
0x67: {  	v0 =	vld.idx.msk [tilespmem:v0+s16+$0x0], $0xffff  }
0x68: {  	p0 =	sne.s32 s30, $0x3F  }
.Ltmp3:
0x69: {  	[tilespmem:v9+s19+$0x0] =	vst.idx.msk $0x1, v6;
	(pc) =	sbr.rel @p0 .LBB2_4-.Ltmp3, $4  }
0x6a: {  	[tilespmem:v9+s20+$0x0] =	vst.idx.msk $0x1, v7  }
0x6b: {  	[tilespmem:v9+s21+$0x0] =	vst.idx.msk $0x1, v8  }
0x6c: {  	v63 =	vadd.s32 $0x1, v5;
	[tilespmem:v9+s22+$0x0] =	vst.idx.msk $0x1, v0  }
0x6d: {  	s29 =	sadd.s32 $0x3, s29;
	s30 =	sadd.s32 $0x1, s30;
	[tilespmem:v2+s18+$0x0] =	vst.idx.msk $0x1, v63  }
.Ltmp4:
0x6e: {  	(pc) =	sbr.rel .LBB2_6-.Ltmp4, $2  }
0x6f: {  	_ =	sdelay $0x2  }
0x70: {  	v5 =	vimm.f32 $0.0e+00;
	v10 =	vimm.f32 $0.0e+00  }
.LBB2_9:
0x71: {  	v1 =	vshra.s32 v0, $0x1;
	v41 =	vmul.f32 $5.000000000e-01, v0  }
0x72: {  	v3 =	vsub.f32 $1.500000000e+00, v62;
	v1 =	vsub.s32 $0x5F3759DF, v1  }
0x73: {  	v2 =	vmul.f32 v54, v2;
	v4 =	vmul.f32 v1, v41  }
0x74: {  	v6 =	vmul.f32 v46, v21;
	v3 =	vmul.f32 v58, v3  }
0x75: {  	v7 =	vsub.f32 v12, v42;
	v8 =	vmul.f32 v2, v56;
	v4 =	vmul.f32 v1, v4  }
0x76: {  	v9 =	vadd.f32 v63, v10;
	v10 =	vmul.f32 v57, v61;
	v11 =	vmul.f32 v3, v51  }
0x77: {  	v13 =	vadd.f32 v59, v45;
	v8 =	vmul.f32 v8, v2;
	v4 =	vsub.f32 $1.500000000e+00, v4  }
0x78: {  	v7 =	vand.u32 $0x7FFFFFFF, v7;
	v61 =	vmul.f32 v10, v55;
	v11 =	vmul.f32 v11, v3  }
0x79: {  	v6 =	vadd.f32 v6, v50;
	v1 =	vmul.f32 v1, v4;
	v4 =	vsub.f32 $1.500000000e+00, v8  }
0x7a: {  	v7 =	vadd.f32 v60, v7;
	v12 =	vmul.f32 v61, v10;
	v11 =	vsub.f32 $1.500000000e+00, v11  }
0x7b: {  	v14 =	vld.idx.msk [tilespmem:v31+s22+$0x0], $0xffff;
	v6 =	vsub.f32 $0.0e+00, v6;
	v0 =	vmul.f32 v1, v41;
	v2 =	vmul.f32 v4, v2  }
0x7c: {  	v8 =	vmul.f32 v43, v16;
	v4 =	vsub.f32 $0.0e+00, v13;
	v3 =	vmul.f32 v11, v3  }
0x7d: {  	v12 =	vsub.f32 $1.500000000e+00, v12;
	v11 =	vld.idx.msk [tilespmem:v36+s22+$0x0], $0xffff;
	v0 =	vmul.f32 v0, v1;
	v2 =	vmul.f32 v2, v49  }
0x7e: {  	v7 =	vadd.f32 v52, v7;
	v8 =	vadd.f32 v8, v53;
	v3 =	vmul.f32 v3, v4  }
0x7f: {  	v4 =	vmul.f32 v12, v10;
	v10 =	vld.idx.msk [tilespmem:v37+s22+$0x0], $0xffff;
	v0 =	vsub.f32 $1.500000000e+00, v0;
	v2 =	vmul.f32 v2, v44  }
0x80: {  	v7 =	vmul.f32 v7, v14;
	v8 =	vsub.f32 $0.0e+00, v8;
	v3 =	vmul.f32 v3, v14  }
0x81: {  	v4 =	vmul.f32 v4, v6;
	v0 =	vmul.f32 v0, v1;
	v62 =	vadd.f32 v2, v5  }
0x82: {  	v63 =	vadd.f32 v7, v9;
	v5 =	vmul.f32 v48, v11  }
0x83: {  	v4 =	vmul.f32 v4, v11;
	v0 =	vmul.f32 v0, v8;
	v1 =	vadd.f32 v3, v62  }
0x84: {  	v2 =	vadd.f32 v5, v63;
	v3 =	vmul.f32 v47, v10  }
0x85: {  	v0 =	vmul.f32 v0, v10;
	v1 =	vadd.f32 v4, v1  }
0x86: {  	v10 =	vadd.f32 v3, v2  }
0x87: {  	v5 =	vadd.f32 v0, v1  }
.LBB2_10:
0x88: {  	s28 =	sadd.s32 $0x1, s28  }
0x89: {  	p0 =	sne.s32 s28, $0x10  }
.Ltmp5:
0x8a: {  	_ = 	snop;
	(pc) =	sbr.rel @!p0 .LBB2_11-.Ltmp5, $1  }
0x8b: {  	_ =	sdelay $0x3  }
.LBB2_6:
0x8c: {  	s29 =	sshll.u32 s28, $0x2  }
0x8d: {  	s30 =	sshll.u32 s28, $0x6;
	s31 =	sor.u32 $0x1, s29  }
0x8e: {  	s30 =	sand.u32 $0x3FFFFFC0, s30;
	s1 =	sshll.u32 s31, $0x4  }
0x8f: {  	s29 =	sor.u32 $0x2, s29;
	v32 =	vld [tilespmem:s30+$0x1800];
	s1 =	sand.u32 $0x3FFFFFD0, s1  }
0x90: {  	s0 =	sshll.u32 s29, $0x4;
	v31 =	vld [tilespmem:s1+$0x1800]  }
0x91: {  	s1 =	sand.u32 $0x3FFFFFE0, s0;
	s0 =	sshllo.u32 s28, $0x2  }
0x92: {  	v35 =	vld [tilespmem:s1+$0x1800];
	s1 =	sshll.u32 s0, $0x4  }
0x93: {  	s1 =	sand.u32 $0x3FFFFFF0, s1  }
0x94: {  	v37 =	vld [tilespmem:s1+$0x1800];
	_ =	sdelay $0x2  }
0x95: {  	v0 =	vld.idx.msk [tilespmem:v32+s18+$0x0], $0xffff  }
0x96: {  	v2 =	vld.idx.msk [tilespmem:v31+s18+$0x0], $0xffff;
	_ =	sdelay $0x1  }
0x97: {  	v6 =	vld.idx.msk [tilespmem:v35+s18+$0x0], $0xffff;
	_ =	sdelay $0x1  }
0x98: {  	v7 =	vld.idx.msk [tilespmem:v37+s18+$0x0], $0xffff  }
0x99: {  	vm0 =	vgt.s32 v0, v2  }
0x9a: {  	v1 =	vld [tilespmem:$0x1FFE0];
	v0 =	vsel vm0, v0, v2  }
0x9b: {  	v3 =	vld [tilespmem:$0x1FFD0];
	vm0 =	vgt.s32 v0, v6  }
0x9c: {  	v4 =	vld [tilespmem:$0x1FFF0];
	v0 =	vsel vm0, v0, v6  }
0x9d: {  	vm0 =	vgt.s32 v0, v7  }
0x9e: {  	v0 =	vsel vm0, v0, v7  }
0x9f: {  	s31 =	smul.u32 $0x30, s31;
	v0 =	vxor.u32 $0x80000000, v0  }
0xa0: {  	(xrf0) =	vmax.scan.msk.u32 $0xffff, v0  }
0xa1: {  	v60 =	vadd.s32 s31, v1;
	v16 =	vadd.s32 s31, v3;
	v61 =	vadd.s32 s31, v4;
	s31 =	smul.u32 $0x30, s29  }
0xa2: {  	s1 =	smul.u32 $0xC0, s28  }
0xa3: {  	v21 =	vadd.s32 s31, v1  }
0xa4: {  	v12 =	vor.u32 s1, v4  }
0xa5: {  	v25 =	vadd.s32 s31, v3  }
0xa6: {  	v62 =	vadd.s32 s31, v4;
	v18 =	vld.idx.msk [tilespmem:v16+s12+$0x0], $0xffff;
	v14, _, _ =	vpop (xrf0)  }
0xa7: {  	s30 =	simm.s32 $0x0;
	v19 =	vld.idx.msk [tilespmem:v61+s12+$0x0], $0xffff;
	(v2sf) =	vpush v14, $0xF  }
0xa8: {  	v20 =	vld.idx.msk [tilespmem:v21+s30+$0x0], $0xffff  }
0xa9: {  	s0 =	smul.u32 $0x30, s0;
	v6 =	vld.idx.msk [tilespmem:v12+s30+$0x0], $0xffff  }
0xaa: {  	v22 =	vld.idx.msk [tilespmem:v25+s30+$0x0], $0xffff  }
0xab: {  	v63 =	vadd.s32 s0, v1;
	v23 =	vld.idx.msk [tilespmem:v62+s30+$0x0], $0xffff  }
0xac: {  	v33 =	vadd.s32 s0, v4;
	v24 =	vld.idx.msk [tilespmem:v21+s12+$0x0], $0xffff  }
0xad: {  	v25 =	vld.idx.msk [tilespmem:v25+s12+$0x0], $0xffff  }
0xae: {  	[tilespmem:$0x1FF90] =	vst v6;
	v6 =	vld.idx.msk [tilespmem:v60+s30+$0x0], $0xffff  }
0xaf: {  	v57 =	vor.u32 s1, v1;
	v21 =	vld.idx.msk [tilespmem:v62+s12+$0x0], $0xffff  }
0xb0: {  	v11 =	vor.u32 s1, v3;
	v26 =	vld.idx.msk [tilespmem:v63+s30+$0x0], $0xffff  }
0xb1: {  	v28 =	vld.idx.msk [tilespmem:v33+s30+$0x0], $0xffff  }
0xb2: {  	v29 =	vld.idx.msk [tilespmem:v63+s12+$0x0], $0xffff  }
0xb3: {  	[tilespmem:$0x1FFA0] =	vst v6;
	v6 =	vld.idx.msk [tilespmem:v16+s30+$0x0], $0xffff  }
0xb4: {  	v58 =	vld.idx.msk [tilespmem:v57+s30+$0x0], $0xffff  }
0xb5: {  	v59 =	vld.idx.msk [tilespmem:v11+s30+$0x0], $0xffff  }
0xb6: {  	v9 =	vld.idx.msk [tilespmem:v57+s12+$0x0], $0xffff;
	v16 =	vadd.s32 s0, v3;
	s31 =	spop (v2sf)  }
0xb7: {  	v13 =	vld.idx.msk [tilespmem:v12+s12+$0x0], $0xffff;
	s29 =	sxor.u32 $0x80000000, s31  }
0xb8: {  	[tilespmem:$0x1FFB0] =	vst v6;
	v6 =	vld.idx.msk [tilespmem:v61+s30+$0x0], $0xffff;
	p0 =	slt.s32 s29, $0x1  }
.Ltmp6:
0xb9: {  	v12 =	vld.idx.msk [tilespmem:v60+s12+$0x0], $0xffff;
	(pc) =	sbr.rel @p0 .LBB2_10-.Ltmp6, $4  }
0xba: {  	v11 =	vld.idx.msk [tilespmem:v11+s12+$0x0], $0xffff  }
0xbb: {  	[tilespmem:$0x1FF70] =	vst v58;
	v27 =	vld.idx.msk [tilespmem:v16+s30+$0x0], $0xffff  }
0xbc: {  	[tilespmem:$0x1FF80] =	vst v59;
	v30 =	vld.idx.msk [tilespmem:v16+s12+$0x0], $0xffff  }
0xbd: {  	v16 =	vld.idx.msk [tilespmem:v33+s12+$0x0], $0xffff;
	[tilespmem:$0x1FFC0] =	vst v6  }
0xbe: {  	v32 =	vshll.u32 v32, $0x6  }
0xbf: {  	v3 =	vadd.s32 s30, v32  }
0xc0: {  	v2 =	vmul.f32 v9, v9;
	v34 =	vmul.f32 v11, v11;
	_ =	sdelay $0x1  }
0xc1: {  	v33 =	vshll.u32 v31, $0x6;
	v57 =	vmul.f32 v13, v13;
	v2 =	vadd.f32 v34, v2  }
0xc2: {  	v0 =	vld [tilespmem:$0x1FF90];
	v31 =	vadd.s32 s30, v33  }
0xc3: {  	v34 =	vadd.f32 v57, v2;
	v2 =	vld.idx.msk [tilespmem:v3+s21+$0x0], $0xffff;
	_ =	sdelay $0x3  }
0xc4: {  	v43 =	vld.idx.msk [tilespmem:v31+s21+$0x0], $0xffff  }
0xc5: {  	v2 =	vsub.f32 v2, v0;
	v0 =	vld [tilespmem:$0x1FFC0]  }
0xc6: {  	v40 =	vmul.f32 v24, v24;
	v41 =	vmul.f32 v25, v25;
	_ =	sdelay $0x1  }
0xc7: {  	v59 =	vmul.f32 v21, v21;
	v40 =	vadd.f32 v41, v40  }
0xc8: {  	v42 =	vld.idx.msk [tilespmem:v3+s19+$0x0], $0xffff  }
0xc9: {  	v40 =	vadd.f32 v59, v40;
	v59 =	vsub.f32 v43, v0;
	v0 =	vld [tilespmem:$0x1FF70]  }
0xca: {  	v58 =	vmul.f32 v29, v29;
	v44 =	vmul.f32 v30, v30  }
0xcb: {  	v38 =	vmul.f32 v12, v12;
	v39 =	vmul.f32 v18, v18;
	v35 =	vshll.u32 v35, $0x6  }
0xcc: {  	v36 =	vadd.s32 s30, v35;
	v48 =	vmul.f32 v16, v16;
	v44 =	vadd.f32 v44, v58  }
0xcd: {  	v39 =	vadd.f32 v39, v38;
	v45 =	vld.idx.msk [tilespmem:v3+s20+$0x0], $0xffff  }
0xce: {  	v38 =	vshll.u32 v37, $0x6;
	v41 =	vadd.f32 v48, v44;
	v48 =	vsub.f32 v42, v0;
	v0 =	vld [tilespmem:$0x1FF80]  }
0xcf: {  	v37 =	vadd.s32 s30, v38  }
0xd0: {  	v47 =	vld.idx.msk [tilespmem:v31+s19+$0x0], $0xffff  }
0xd1: {  	v60 =	vld.idx.msk [tilespmem:v36+s19+$0x0], $0xffff  }
0xd2: {  	v61 =	vld.idx.msk [tilespmem:v36+s20+$0x0], $0xffff  }
0xd3: {  	v45 =	vsub.f32 v45, v0;
	v0 =	vld [tilespmem:$0x1FFA0]  }
0xd4: {  	v53 =	vld.idx.msk [tilespmem:v37+s19+$0x0], $0xffff  }
0xd5: {  	v46 =	vmul.f32 v19, v19;
	_ =	sdelay $0x1  }
0xd6: {  	v39 =	vadd.f32 v46, v39;
	v49 =	vld.idx.msk [tilespmem:v31+s20+$0x0], $0xffff;
	v44 =	vsub.f32 v60, v20  }
0xd7: {  	v61 =	vsub.f32 v61, v22;
	v50 =	vmul.f32 v2, v2;
	v42 =	vsub.f32 v47, v0;
	v0 =	vld [tilespmem:$0x1FFB0]  }
0xd8: {  	v60 =	vmul.f32 v44, v24;
	v53 =	vsub.f32 v53, v26;
	v43 =	vmul.f32 v44, v44  }
0xd9: {  	v44 =	vsub.f32 v24, v44;
	v1 =	vsub.f32 v19, v59;
	v62 =	vmul.f32 v59, v59  }
0xda: {  	v63 =	vld.idx.msk [tilespmem:v37+s20+$0x0], $0xffff;
	v57 =	vsub.f32 v9, v48;
	v58 =	vmul.f32 v48, v48;
	v48 =	vmul.f32 v48, v9  }
0xdb: {  	v46 =	vmul.f32 v45, v45;
	v51 =	vsub.f32 v11, v45;
	v45 =	vmul.f32 v45, v11  }
0xdc: {  	v54 =	vld.idx.msk [tilespmem:v36+s21+$0x0], $0xffff;
	v44 =	vand.u32 $0x7FFFFFFF, v44;
	v59 =	vmul.f32 v59, v19;
	v49 =	vsub.f32 v49, v0  }
0xdd: {  	v58 =	vadd.f32 v46, v58;
	v45 =	vadd.f32 v45, v48;
	v47 =	vmul.f32 v2, v13  }
0xde: {  	v56 =	vld.idx.msk [tilespmem:v37+s21+$0x0], $0xffff;
	v2 =	vsub.f32 v13, v2;
	v52 =	vmul.f32 v42, v42;
	v55 =	vmul.f32 v49, v49  }
0xdf: {  	v46 =	vmul.f32 v61, v61;
	v50 =	vadd.f32 v50, v58;
	v58 =	vsub.f32 v63, v27  }
0xe0: {  	v57 =	vand.u32 $0x7FFFFFFF, v57;
	v4 =	vadd.f32 v47, v45;
	v52 =	vadd.f32 v55, v52  }
0xe1: {  	v51 =	vand.u32 $0x7FFFFFFF, v51;
	v55 =	vadd.f32 v46, v43;
	v46 =	vsub.f32 v54, v23  }
0xe2: {  	v45 =	vmul.f32 v42, v12;
	v2 =	vand.u32 $0x7FFFFFFF, v2;
	v54 =	vsub.f32 v25, v61  }
0xe3: {  	v48 =	vmul.f32 v58, v58;
	v43 =	vsub.f32 v56, v28;
	v56 =	vmul.f32 v46, v46  }
0xe4: {  	v52 =	vadd.f32 v62, v52;
	v54 =	vand.u32 $0x7FFFFFFF, v54;
	v62 =	vsub.f32 v30, v58  }
0xe5: {  	v50 =	vmul.f32 v50, v34;
	v44 =	vadd.f32 v54, v44;
	v54 =	vsub.f32 v29, v53  }
0xe6: {  	v61 =	vmul.f32 v61, v25;
	v55 =	vadd.f32 v56, v55;
	v56 =	vmul.f32 v53, v53  }
0xe7: {  	v0 =	vmul.f32 v43, v43;
	v62 =	vand.u32 $0x7FFFFFFF, v62;
	v54 =	vand.u32 $0x7FFFFFFF, v54  }
0xe8: {  	v63 =	vadd.f32 v48, v56;
	v48 =	vmul.f32 v49, v18;
	v47 =	vadd.f32 v62, v54  }
0xe9: {  	v52 =	vmul.f32 v52, v39;
	v56 =	vsub.f32 v16, v43;
	v62 =	vadd.f32 v51, v57  }
0xea: {  	v53 =	vmul.f32 v53, v29;
	v45 =	vadd.f32 v48, v45;
	v48 =	vsub.f32 v21, v46  }
0xeb: {  	v57 =	vshra.s32 v50, $0x1;
	v51 =	vmul.f32 $5.000000000e-01, v52;
	v52 =	vshra.s32 v52, $0x1  }
0xec: {  	v54 =	vsub.s32 $0x5F3759DF, v57;
	v57 =	vmul.f32 v58, v30;
	v48 =	vand.u32 $0x7FFFFFFF, v48  }
0xed: {  	v58 =	vand.u32 $0x7FFFFFFF, v56;
	v48 =	vadd.f32 v48, v44;
	v44 =	vmul.f32 v55, v40  }
0xee: {  	v56 =	vmul.f32 $5.000000000e-01, v50;
	v0 =	vadd.f32 v0, v63;
	v50 =	vadd.f32 v61, v60  }
0xef: {  	v53 =	vadd.f32 v57, v53;
	v57 =	vshra.s32 v44, $0x1;
	v55 =	vmul.f32 $5.000000000e-01, v44  }
0xf0: {  	p0 =	sne.s32 s29, $0x1;
	v47 =	vadd.f32 v58, v47;
	v58 =	vsub.s32 $0x5F3759DF, v52;
	v44 =	vld.idx.msk [tilespmem:v3+s22+$0x0], $0xffff;
	v57 =	vsub.s32 $0x5F3759DF, v57  }
.Ltmp7:
0xf1: {  	v3 =	vadd.f32 v2, v62;
	v62 =	vmul.f32 v54, v56;
	v2 =	vmul.f32 v57, v55;
	(pc) =	sbr.rel @!p0 .LBB2_9-.Ltmp7, $4  }
0xf2: {  	v61 =	vsub.f32 v18, v49;
	v49 =	vsub.f32 $0.0e+00, v4;
	v60 =	vmul.f32 v58, v51  }
0xf3: {  	v52 =	vand.u32 $0x7FFFFFFF, v1;
	v4 =	vmul.f32 v54, v62;
	v2 =	vmul.f32 v57, v2  }
0xf4: {  	v0 =	vmul.f32 v0, v41;
	v62 =	vmul.f32 v58, v60;
	v60 =	vand.u32 $0x7FFFFFFF, v61  }
0xf5: {  	s30 =	simm.s32 $0x1;
	v63 =	vmul.f32 v3, v44;
	v61 =	vsub.f32 $1.500000000e+00, v2;
	v2 =	vsub.f32 $1.500000000e+00, v4  }
.LBB2_8:
0xf6: {  	v3 =	vsub.f32 v12, v42;
	_ =	sdelay $0x1  }
0xf7: {  	v3 =	vand.u32 $0x7FFFFFFF, v3  }
0xf8: {  	s31 =	smov.u32 s30;
	v2 =	vmul.f32 v54, v2;
	v54 =	vmul.f32 v57, v61;
	v57 =	vld.idx.msk [tilespmem:v31+s22+$0x0], $0xffff;
	v3 =	vadd.f32 v60, v3  }
0xf9: {  	v31 =	vadd.f32 v59, v45;
	v45 =	vadd.s32 s31, v32  }
0xfa: {  	v4 =	vsub.f32 $1.500000000e+00, v62;
	v3 =	vadd.f32 v52, v3;
	v52 =	vld.idx.msk [tilespmem:v36+s22+$0x0], $0xffff;
	_ =	sdelay $0x1  }
0xfb: {  	v10 =	vadd.f32 v63, v10;
	v43 =	vmul.f32 v43, v16;
	v59 =	vld.idx.msk [tilespmem:v37+s22+$0x0], $0xffff;
	v4 =	vmul.f32 v58, v4  }
0xfc: {  	v1 =	vld [tilespmem:$0x1FF90];
	v58 =	vsub.f32 $0.0e+00, v31;
	v31 =	vadd.s32 s31, v33;
	v3 =	vmul.f32 v3, v57  }
0xfd: {  	v60 =	vadd.f32 v43, v53;
	v53 =	vld.idx.msk [tilespmem:v45+s21+$0x0], $0xffff  }
0xfe: {  	v3 =	vadd.f32 v3, v10;
	v10 =	vmul.f32 v48, v52  }
0xff: {  	v63 =	vshra.s32 v0, $0x1  }
0x100: {  	v0 =	vmul.f32 $5.000000000e-01, v0;
	v3 =	vadd.f32 v10, v3;
	v10 =	vmul.f32 v47, v59  }
0x101: {  	v42 =	vmul.f32 v46, v21;
	v46 =	vsub.s32 $0x5F3759DF, v63;
	v48 =	vld.idx.msk [tilespmem:v31+s21+$0x0], $0xffff  }
0x102: {  	v63 =	vmul.f32 v46, v0;
	v10 =	vadd.f32 v10, v3;
	v3 =	vsub.f32 v53, v1;
	v1 =	vld [tilespmem:$0x1FFC0]  }
0x103: {  	v56 =	vmul.f32 v2, v56  }
0x104: {  	v61 =	vmul.f32 v46, v63  }
0x105: {  	v51 =	vmul.f32 v4, v51;
	v63 =	vmul.f32 v56, v2  }
0x106: {  	v62 =	vmul.f32 v54, v55;
	v42 =	vadd.f32 v42, v50;
	v43 =	vsub.f32 $1.500000000e+00, v61;
	v56 =	vld.idx.msk [tilespmem:v45+s19+$0x0], $0xffff  }
0x107: {  	v51 =	vmul.f32 v51, v4;
	v61 =	vsub.f32 $1.500000000e+00, v63;
	v50 =	vsub.f32 v48, v1;
	v1 =	vld [tilespmem:$0x1FF70]  }
0x108: {  	v36 =	vmul.f32 v62, v54;
	v43 =	vmul.f32 v46, v43  }
0x109: {  	v42 =	vsub.f32 $0.0e+00, v42;
	v62 =	vsub.f32 $1.500000000e+00, v51;
	v2 =	vmul.f32 v61, v2  }
0x10a: {  	v55 =	vsub.f32 $1.500000000e+00, v36;
	v36 =	vadd.s32 s31, v35;
	v0 =	vmul.f32 v43, v0  }
0x10b: {  	v51 =	vsub.f32 $0.0e+00, v60;
	v60 =	vld.idx.msk [tilespmem:v45+s20+$0x0], $0xffff;
	v4 =	vmul.f32 v62, v4;
	v2 =	vmul.f32 v2, v49  }
0x10c: {  	v54 =	vmul.f32 v55, v54;
	v0 =	vmul.f32 v0, v43;
	v49 =	vsub.f32 v56, v1;
	v1 =	vld [tilespmem:$0x1FF80]  }
0x10d: {  	v4 =	vmul.f32 v4, v58;
	v2 =	vmul.f32 v2, v44  }
0x10e: {  	v37 =	vadd.s32 s31, v38;
	v62 =	vld.idx.msk [tilespmem:v31+s19+$0x0], $0xffff;
	v54 =	vmul.f32 v54, v42;
	v0 =	vsub.f32 $1.500000000e+00, v0  }
0x10f: {  	v4 =	vmul.f32 v4, v57;
	v2 =	vadd.f32 v2, v5;
	v48 =	vld.idx.msk [tilespmem:v36+s19+$0x0], $0xffff  }
0x110: {  	v52 =	vmul.f32 v54, v52;
	v53 =	vld.idx.msk [tilespmem:v36+s21+$0x0], $0xffff;
	v0 =	vmul.f32 v0, v43  }
0x111: {  	v55 =	vmul.f32 v3, v13;
	v2 =	vadd.f32 v4, v2;
	v46 =	vsub.f32 v60, v1;
	v1 =	vld [tilespmem:$0x1FFA0]  }
0x112: {  	v57 =	vmul.f32 v3, v3;
	v3 =	vsub.f32 v13, v3;
	v0 =	vmul.f32 v0, v51;
	v56 =	vld.idx.msk [tilespmem:v36+s20+$0x0], $0xffff  }
0x113: {  	v2 =	vadd.f32 v52, v2;
	v60 =	vld.idx.msk [tilespmem:v37+s20+$0x0], $0xffff  }
0x114: {  	v3 =	vand.u32 $0x7FFFFFFF, v3;
	v0 =	vmul.f32 v0, v59;
	v48 =	vsub.f32 v48, v20  }
0x115: {  	v63 =	vld.idx.msk [tilespmem:v31+s20+$0x0], $0xffff;
	v51 =	vsub.f32 v9, v49;
	v4 =	vmul.f32 v49, v49;
	v44 =	vmul.f32 v46, v46  }
0x116: {  	v54 =	vmul.f32 v50, v50;
	v43 =	vsub.f32 v11, v46;
	v42 =	vsub.f32 v62, v1;
	v1 =	vld [tilespmem:$0x1FFB0]  }
0x117: {  	v4 =	vadd.f32 v44, v4;
	v44 =	vmul.f32 v46, v11;
	v46 =	vsub.f32 v53, v23  }
0x118: {  	v7 =	vmul.f32 v48, v24;
	v56 =	vsub.f32 v56, v22;
	v62 =	vld.idx.msk [tilespmem:v37+s19+$0x0], $0xffff;
	v60 =	vsub.f32 v60, v27  }
0x119: {  	v6 =	vand.u32 $0x7FFFFFFF, v51;
	v4 =	vadd.f32 v57, v4;
	v15 =	vsub.f32 v21, v46  }
0x11a: {  	v47 =	vld.idx.msk [tilespmem:v37+s21+$0x0], $0xffff;
	v51 =	vmul.f32 v56, v56;
	v61 =	vmul.f32 v42, v42;
	v8 =	vsub.f32 v30, v60  }
0x11b: {  	v4 =	vmul.f32 v4, v34;
	v15 =	vand.u32 $0x7FFFFFFF, v15;
	v58 =	vsub.f32 v63, v1  }
0x11c: {  	v63 =	vsub.f32 v19, v50;
	v1 =	vand.u32 $0x7FFFFFFF, v43;
	v43 =	vmul.f32 v48, v48  }
0x11d: {  	v8 =	vand.u32 $0x7FFFFFFF, v8;
	v59 =	vsub.f32 v62, v26;
	v48 =	vsub.f32 v24, v48  }
0x11e: {  	v1 =	vadd.f32 v1, v6;
	v5 =	vmul.f32 v58, v58;
	v51 =	vadd.f32 v51, v43  }
0x11f: {  	v43 =	vsub.f32 v47, v28;
	v47 =	vmul.f32 v49, v9;
	v53 =	vmul.f32 v58, v18  }
0x120: {  	v49 =	vsub.f32 v25, v56;
	v48 =	vand.u32 $0x7FFFFFFF, v48;
	v57 =	vmul.f32 v59, v59  }
0x121: {  	v1 =	vadd.f32 v3, v1;
	v52 =	vadd.f32 v5, v61;
	v61 =	vmul.f32 v56, v25  }
0x122: {  	v5 =	vadd.f32 v0, v2;
	v0 =	vsub.f32 v18, v58;
	v2 =	vmul.f32 v59, v29  }
0x123: {  	v49 =	vand.u32 $0x7FFFFFFF, v49;
	v62 =	vsub.f32 v16, v43;
	v44 =	vadd.f32 v44, v47  }
0x124: {  	v56 =	vmul.f32 v46, v46;
	v48 =	vadd.f32 v49, v48;
	v49 =	vsub.f32 v29, v59  }
0x125: {  	v59 =	vmul.f32 v42, v12;
	v52 =	vadd.f32 v54, v52;
	v54 =	vshra.s32 v4, $0x1  }
0x126: {  	v14 =	vmul.f32 v43, v43;
	v56 =	vadd.f32 v56, v51;
	v54 =	vsub.s32 $0x5F3759DF, v54  }
0x127: {  	v47 =	vand.u32 $0x7FFFFFFF, v49;
	v49 =	vadd.f32 v55, v44;
	v44 =	vld.idx.msk [tilespmem:v45+s22+$0x0], $0xffff;
	v45 =	vadd.f32 v53, v59  }
0x128: {  	v48 =	vadd.f32 v15, v48;
	v58 =	vmul.f32 v52, v39;
	v17 =	vmul.f32 v56, v40  }
0x129: {  	v52 =	vand.u32 $0x7FFFFFFF, v63;
	v63 =	vmul.f32 v60, v60;
	v56 =	vmul.f32 $5.000000000e-01, v4  }
0x12a: {  	v49 =	vsub.f32 $0.0e+00, v49;
	v51 =	vmul.f32 $5.000000000e-01, v58;
	v4 =	vshra.s32 v17, $0x1  }
0x12b: {  	v63 =	vadd.f32 v63, v57;
	v55 =	vshra.s32 v58, $0x1;
	v57 =	vsub.s32 $0x5F3759DF, v4  }
0x12c: {  	s30 =	sadd.s32 $0x1, s30;
	v58 =	vsub.s32 $0x5F3759DF, v55;
	v55 =	vmul.f32 $5.000000000e-01, v17;
	v4 =	vadd.f32 v8, v47  }
0x12d: {  	p0 =	sne.s32 s29, s30;
	v8 =	vmul.f32 v54, v56;
	v17 =	vand.u32 $0x7FFFFFFF, v62;
	v62 =	vmul.f32 v60, v30  }
.Ltmp8:
0x12e: {  	v60 =	vand.u32 $0x7FFFFFFF, v0;
	v6 =	vmul.f32 v58, v51;
	v59 =	vmul.f32 v57, v55;
	(pc) =	sbr.rel @p0 .LBB2_8-.Ltmp8, $4  }
0x12f: {  	v3 =	vadd.f32 v14, v63;
	v63 =	vmul.f32 v1, v44;
	v8 =	vmul.f32 v54, v8  }
0x130: {  	v53 =	vadd.f32 v62, v2;
	v47 =	vadd.f32 v17, v4;
	v2 =	vmul.f32 v57, v59  }
0x131: {  	v62 =	vmul.f32 v58, v6;
	v59 =	vmul.f32 v50, v19;
	v50 =	vadd.f32 v61, v7  }
0x132: {  	v0 =	vmul.f32 v3, v41;
	v61 =	vsub.f32 $1.500000000e+00, v2;
	v2 =	vsub.f32 $1.500000000e+00, v8  }
.Ltmp9:
0x133: {  	_ = 	snop;
	(pc) =	sbr.rel .LBB2_9-.Ltmp9, $1  }
0x134: {  	_ =	sdelay $0x3  }
.LBB2_12:
0x135: {  	_ =	sfence.sel $0x180000  }
0x136: {  	[bflag:$0x0] =	sbarrier.arrive $0xFFFF  }
0x137: {  	_ =	strace $0x90000047  }
0x138: {  	s0 =	stileid.u32;
	[bflag:$0x2] =	sbarrier.arrive $0xFFFF  }
0x139: {  	p0 =	sne.s32 s0, $0x0;
	s0 =	rddreg [dreg:$0x1]  }
0x13a: {  	s0 =	sadd.s32 @!p0 $0x100000, s0  }
0x13b: {  	[sflag:s0] =	ssyncadd.tile.s32 @!p0 $0x1;
	_ =	shalt  }
.Lfunc_end2:
_tile_overlayer_lowered:
.L_overlay_start_2:
0x13c: {  	(tag) =	ssettag $0x2  }
0x13d: {  	s0 =	rddreg [dreg:$0x0];
	s2 =	stileid.u32  }
0x13e: {  	s1 =	rddreg [dreg:$0x1];
	p0 =	sne.s32 s2, $0x0  }
0x13f: {  	s3 =	rddreg [dreg:$0x2];
	[bflag:$0x3] =	sbarrier.arrive $0xFFFF;
	s2 =	simm.s32 @!p0 $0x1C02  }
0x140: {  	[timem:s3], [sflag:s2] =	dma.local @!p0 [hbm:s0], s1  }
0x141: {  	s0 =	simm.s32 @!p0 $0x2  }
0x142: {  	_ =	swait.ge @!p0 [sflag:s0], s1  }
0x143: {  	s1 =	ssub.s32 @!p0 $0x0, s1;
	[sflag:s0] =	ssyncset.done @!p0 $0x0  }
0x144: {  	[sflag:s0] =	ssyncadd.s32 @!p0 s1  }
0x145: {  	[bflag:$0x3] =	sbarrier.arrive $0xFFFF  }
0x146: {  	_ =	shalt  }

</sc_bundles>
